<compile_context>
chip_gen: v7x
topology: tpu7x:2x2x1
jax: 0.10.2.dev20260603
libtpu: 0.0.44.dev20260713+nightly
codegen_flags: <defaults>
</compile_context>

<pallas_src>
import functools
import jax
import jax.numpy as jnp
from jax import lax
from jax.experimental import pallas as pl
from jax.experimental.pallas import tpu as pltpu
from jax.experimental.pallas import tpu_sc as plsc

_B, _LEN, _D, _V = 4096, 200, 64, 1000000
_NC, _NS = 2, 16
_NW = _NC * _NS
_BPW = _B // _NW
_RPW = _BPW * _LEN
_GU = 100
_NBC = 2
_CH = _NBC * _LEN
_UPC = _CH // _GU
_NCHUNK = _BPW // _NBC


def _sig_body(y_ref, w_ref, b_ref, o_ref):
    o_ref[...] = (
        jnp.dot(y_ref[...], w_ref[...].T, preferred_element_type=jnp.float32)
        + b_ref[...]
    )


def _compute_sig(y, w, bias):
    return pl.pallas_call(
        _sig_body,
        out_shape=jax.ShapeDtypeStruct((_B, _D), jnp.float32),
    )(y, w, bias.reshape(1, _D))


@functools.partial(
    pl.kernel,
    out_type=jax.ShapeDtypeStruct((_B * _LEN, _D), jnp.float32),
    mesh=plsc.VectorSubcoreMesh(
        core_axis_name="c", subcore_axis_name="s", num_cores=_NC, num_subcores=_NS
    ),
    scratch_types=[
        pltpu.VMEM((_RPW // _GU, _GU), jnp.int32),
        pltpu.VMEM((_BPW, _D), jnp.float32),
        pltpu.VMEM((_CH, _D), jnp.float32),
        pltpu.VMEM((_CH, _D), jnp.float32),
        pltpu.SemaphoreType.DMA,
        pltpu.SemaphoreType.DMA,
        pltpu.SemaphoreType.DMA,
        pltpu.SemaphoreType.DMA,
    ],
    compiler_params=pltpu.CompilerParams(use_tc_tiling_on_sc=False),
)
def _sc_embed(
    idx_hbm, sig_hbm, table_hbm, out_hbm,
    idx_v, sig_v, buf0, buf1, gsem0, gsem1, osem0, osem1,
):
    wid = lax.axis_index("s") * _NC + lax.axis_index("c")
    base_row = wid * _RPW

    pltpu.sync_copy(idx_hbm.at[wid], idx_v)
    pltpu.sync_copy(sig_hbm.at[wid], sig_v)

    def fire_gather(c, buf, gsem):
        for u in range(_UPC):
            pltpu.async_copy(
                table_hbm.at[idx_v.at[c * _UPC + u]],
                buf.at[pl.ds(u * _GU, _GU)],
                gsem,
            )

    def wait_gather(c, buf, gsem):
        for u in range(_UPC):
            pltpu.make_async_copy(
                table_hbm.at[idx_v.at[c * _UPC + u]],
                buf.at[pl.ds(u * _GU, _GU)],
                gsem,
            ).wait()

    def fire_write(c, buf, osem):
        pltpu.async_copy(buf, out_hbm.at[pl.ds(base_row + c * _CH, _CH)], osem)

    def wait_write(buf, osem):
        pltpu.make_async_copy(buf, out_hbm.at[pl.ds(base_row, _CH)], osem).wait()

    def add_sig(c, buf):
        for ib in range(_NBC):
            b = c * _NBC + ib
            svs = [sig_v[b, pl.ds(d * 16, 16)] for d in range(_D // 16)]

            def row_body(r, carry2, _ib=ib, _svs=svs):
                for d in range(_D // 16):
                    plsc.addupdate(
                        buf.at[_ib * _LEN + r, pl.ds(d * 16, 16)], _svs[d]
                    )
                return carry2

            lax.fori_loop(0, _LEN, row_body, 0, unroll=8)

    fire_gather(0, buf0, gsem0)

    def pair_body(i, carry):
        c0 = 2 * i
        c1 = c0 + 1

        @pl.when(i > 0)
        def _():
            wait_write(buf1, osem1)
        fire_gather(c1, buf1, gsem1)
        wait_gather(c0, buf0, gsem0)
        add_sig(c0, buf0)
        fire_write(c0, buf0, osem0)

        @pl.when(i < _NCHUNK // 2 - 1)
        def _():
            wait_write(buf0, osem0)
            fire_gather(c0 + 2, buf0, gsem0)
        wait_gather(c1, buf1, gsem1)
        add_sig(c1, buf1)
        fire_write(c1, buf1, osem1)
        return carry

    lax.fori_loop(0, _NCHUNK // 2, pair_body, 0)

    wait_write(buf0, osem0)
    wait_write(buf1, osem1)


@jax.jit
def kernel(x, y, embedding, W, b):
    sig = _compute_sig(y, W, b)
    idx = x.reshape(_NW, _RPW // _GU, _GU)
    sigw = sig.reshape(_NW, _BPW, _D)
    out = _sc_embed(idx, sigw, embedding)
    return out.reshape(_B, _LEN, _D)

# --- scband reference (transcript-rebuilt; emitter-appended) ---
"""Pipeline reference for scband-embedding-layer-56753697849800 (READ-ONLY COPY).

The authoritative reference and input builder live on the scoring server;
editing this copy changes nothing except your own understanding.
"""

import jax, jax.numpy as jnp
import numpy as np
import math

VOCAB = 1000000
DIM = 64
B = 4096
L = 200

def setup_inputs(seed: int = 0) -> dict:
    key = jax.random.key(seed)
    k1, k2, k3, k4, k5 = jax.random.split(key, 5)
    x = jax.random.randint(k1, (B, L), 0, VOCAB, dtype=jnp.int32)
    y = jax.random.normal(k2, (B, 5), dtype=jnp.float32)
    # embedding param: kaiming_uniform with a=sqrt(5) over shape (vocab_dim, dim) -> bound = 1/sqrt(dim)
    bound_e = 1.0 / math.sqrt(DIM)
    embedding = jax.random.uniform(k3, (VOCAB, DIM), minval=-bound_e, maxval=bound_e, dtype=jnp.float32)
    # nn.Linear(5, dim): weight (dim, 5), bias (dim,), init uniform(-1/sqrt(5), 1/sqrt(5))
    bound_l = 1.0 / math.sqrt(5.0)
    W = jax.random.uniform(k4, (DIM, 5), minval=-bound_l, maxval=bound_l, dtype=jnp.float32)
    b = jax.random.uniform(k5, (DIM,), minval=-bound_l, maxval=bound_l, dtype=jnp.float32)
    return {"x": x, "y": y, "embedding": embedding, "W": W, "b": b}

def reference(x, y, embedding, W, b):
    vocab_embed = jnp.take(embedding, x, axis=0)          # [B, L, DIM] gather
    signal_embed = y.astype(jnp.float32) @ W.T + b        # [B, DIM]
    return vocab_embed + signal_embed[:, None, :]

if __name__ == "__main__":
    import jax
    _d = setup_inputs()
    print(jax.jit(kernel)(*tuple(_d.values())))

</pallas_src>

<mosaic_0001>
#map = affine_map<(d0, d1) -> (0, 0, 0)>
#map1 = affine_map<(d0, d1) -> (0, 0)>
module attributes {stable_mosaic.version = 14 : i64} {
  func.func @_sc_embed(%arg0: i32, %arg1: i32, %arg2: memref<32x256x100xi32, #tpu.memory_space<hbm>>, %arg3: memref<32x128x64xf32, #tpu.memory_space<hbm>>, %arg4: memref<1000000x64xf32, #tpu.memory_space<hbm>>, %arg5: memref<819200x64xf32, #tpu.memory_space<hbm>>, %arg6: memref<256x100xi32, #tpu.memory_space<vmem>>, %arg7: memref<128x64xf32, #tpu.memory_space<vmem>>, %arg8: memref<400x64xf32, #tpu.memory_space<vmem>>, %arg9: memref<400x64xf32, #tpu.memory_space<vmem>>, %arg10: memref<!tpu.dma_semaphore, #tpu.memory_space<semaphore_mem>>, %arg11: memref<!tpu.dma_semaphore, #tpu.memory_space<semaphore_mem>>, %arg12: memref<!tpu.dma_semaphore, #tpu.memory_space<semaphore_mem>>, %arg13: memref<!tpu.dma_semaphore, #tpu.memory_space<semaphore_mem>>) attributes {dimension_semantics = [#tpu.dimension_semantics<core_parallel>, #tpu.dimension_semantics<subcore_parallel>], iteration_bounds = array<i64: 2, 16>, scalar_prefetch = 0 : i64, scratch_operands = 8 : i64, tpu.core_type = #tpu.core_type<sc_vector_subcore>, window_params = [{transform_indices = #map}, {transform_indices = #map}, {transform_indices = #map1}, {transform_indices = #map1}]} {
    %mul3A = arith.constant 2 : i32
    %mul3A_0 = arith.muli %arg1, %mul3A : i32
    %add3A = arith.addi %mul3A_0, %arg0 : i32
    %mul3A_1 = arith.constant 25600 : i32
    %mul3A_2 = arith.muli %add3A, %mul3A_1 : i32
    "tpu.region"() ({
      %run_scoped3A = tpu.sem_alloc : memref<!tpu.dma_semaphore, #tpu.memory_space<semaphore_mem>>
      %dma_start3A_54 = arith.constant 0 : i32
      %dma_start3A_55 = arith.constant 0 : i32
      %dma_start3A_56 = tpu.memref_slice %arg2[%add3A, %dma_start3A_54, %dma_start3A_55] : memref<32x256x100xi32, #tpu.memory_space<hbm>> -> memref<1x256x100xi32, #tpu.memory_space<hbm>>
      %dma_start3A_57 = tpu.memref_squeeze %dma_start3A_56 : memref<1x256x100xi32, #tpu.memory_space<hbm>> -> memref<256x100xi32, #tpu.memory_space<hbm>>
      %dma_start3A_58 = arith.constant 0 : i32
      %dma_start3A_59 = arith.constant 0 : i32
      %dma_start3A_60 = tpu.memref_slice %arg2[%add3A, %dma_start3A_58, %dma_start3A_59] : memref<32x256x100xi32, #tpu.memory_space<hbm>> -> memref<1x256x100xi32, #tpu.memory_space<hbm>>
      %dma_start3A_61 = tpu.memref_squeeze %dma_start3A_60 : memref<1x256x100xi32, #tpu.memory_space<hbm>> -> memref<256x100xi32, #tpu.memory_space<hbm>>
      tpu.enqueue_dma source(%dma_start3A_61 : memref<256x100xi32, #tpu.memory_space<hbm>>) target(%arg6 : memref<256x100xi32, #tpu.memory_space<vmem>>) target_semaphore(%run_scoped3A : memref<!tpu.dma_semaphore, #tpu.memory_space<semaphore_mem>>)
      %dma_wait3A_62 = arith.constant 0 : i32
      %dma_wait3A_63 = arith.constant 0 : i32
      %dma_wait3A_64 = tpu.memref_slice %arg2[%add3A, %dma_wait3A_62, %dma_wait3A_63] : memref<32x256x100xi32, #tpu.memory_space<hbm>> -> memref<1x256x100xi32, #tpu.memory_space<hbm>>
      %dma_wait3A_65 = tpu.memref_squeeze %dma_wait3A_64 : memref<1x256x100xi32, #tpu.memory_space<hbm>> -> memref<256x100xi32, #tpu.memory_space<hbm>>
      %dma_wait3A_66 = arith.constant 0 : i32
      %dma_wait3A_67 = arith.constant 0 : i32
      %dma_wait3A_68 = tpu.memref_slice %arg2[%add3A, %dma_wait3A_66, %dma_wait3A_67] : memref<32x256x100xi32, #tpu.memory_space<hbm>> -> memref<1x256x100xi32, #tpu.memory_space<hbm>>
      %dma_wait3A_69 = tpu.memref_squeeze %dma_wait3A_68 : memref<1x256x100xi32, #tpu.memory_space<hbm>> -> memref<256x100xi32, #tpu.memory_space<hbm>>
      tpu.wait_dma2 semaphore(%run_scoped3A : memref<!tpu.dma_semaphore, #tpu.memory_space<semaphore_mem>>) src(%dma_wait3A_69 : memref<256x100xi32, #tpu.memory_space<hbm>>) dst(%arg6 : memref<256x100xi32, #tpu.memory_space<vmem>>)
      tpu.yield
    }) : () -> ()
    "tpu.region"() ({
      %run_scoped3A = tpu.sem_alloc : memref<!tpu.dma_semaphore, #tpu.memory_space<semaphore_mem>>
      %dma_start3A_54 = arith.constant 0 : i32
      %dma_start3A_55 = arith.constant 0 : i32
      %dma_start3A_56 = tpu.memref_slice %arg3[%add3A, %dma_start3A_54, %dma_start3A_55] : memref<32x128x64xf32, #tpu.memory_space<hbm>> -> memref<1x128x64xf32, #tpu.memory_space<hbm>>
      %dma_start3A_57 = tpu.memref_squeeze %dma_start3A_56 : memref<1x128x64xf32, #tpu.memory_space<hbm>> -> memref<128x64xf32, #tpu.memory_space<hbm>>
      %dma_start3A_58 = arith.constant 0 : i32
      %dma_start3A_59 = arith.constant 0 : i32
      %dma_start3A_60 = tpu.memref_slice %arg3[%add3A, %dma_start3A_58, %dma_start3A_59] : memref<32x128x64xf32, #tpu.memory_space<hbm>> -> memref<1x128x64xf32, #tpu.memory_space<hbm>>
      %dma_start3A_61 = tpu.memref_squeeze %dma_start3A_60 : memref<1x128x64xf32, #tpu.memory_space<hbm>> -> memref<128x64xf32, #tpu.memory_space<hbm>>
      tpu.enqueue_dma source(%dma_start3A_61 : memref<128x64xf32, #tpu.memory_space<hbm>>) target(%arg7 : memref<128x64xf32, #tpu.memory_space<vmem>>) target_semaphore(%run_scoped3A : memref<!tpu.dma_semaphore, #tpu.memory_space<semaphore_mem>>)
      %dma_wait3A_62 = arith.constant 0 : i32
      %dma_wait3A_63 = arith.constant 0 : i32
      %dma_wait3A_64 = tpu.memref_slice %arg3[%add3A, %dma_wait3A_62, %dma_wait3A_63] : memref<32x128x64xf32, #tpu.memory_space<hbm>> -> memref<1x128x64xf32, #tpu.memory_space<hbm>>
      %dma_wait3A_65 = tpu.memref_squeeze %dma_wait3A_64 : memref<1x128x64xf32, #tpu.memory_space<hbm>> -> memref<128x64xf32, #tpu.memory_space<hbm>>
      %dma_wait3A_66 = arith.constant 0 : i32
      %dma_wait3A_67 = arith.constant 0 : i32
      %dma_wait3A_68 = tpu.memref_slice %arg3[%add3A, %dma_wait3A_66, %dma_wait3A_67] : memref<32x128x64xf32, #tpu.memory_space<hbm>> -> memref<1x128x64xf32, #tpu.memory_space<hbm>>
      %dma_wait3A_69 = tpu.memref_squeeze %dma_wait3A_68 : memref<1x128x64xf32, #tpu.memory_space<hbm>> -> memref<128x64xf32, #tpu.memory_space<hbm>>
      tpu.wait_dma2 semaphore(%run_scoped3A : memref<!tpu.dma_semaphore, #tpu.memory_space<semaphore_mem>>) src(%dma_wait3A_69 : memref<128x64xf32, #tpu.memory_space<hbm>>) dst(%arg7 : memref<128x64xf32, #tpu.memory_space<vmem>>)
      tpu.yield
    }) : () -> ()
    %dma_start3A = arith.constant 0 : i32
    %dma_start3A_3 = arith.constant 0 : i32
    %dma_start3A_4 = arith.constant 0 : i32
    %dma_start3A_5 = tpu.memref_slice %arg8[%dma_start3A_3, %dma_start3A_4] : memref<400x64xf32, #tpu.memory_space<vmem>> -> memref<100x64xf32, #tpu.memory_space<vmem>>
    %dma_start3A_6 = arith.constant 0 : i32
    %dma_start3A_7 = tpu.memref_slice %arg6[%dma_start3A, %dma_start3A_6] : memref<256x100xi32, #tpu.memory_space<vmem>> -> memref<1x100xi32, #tpu.memory_space<vmem>>
    %dma_start3A_8 = tpu.memref_squeeze %dma_start3A_7 : memref<1x100xi32, #tpu.memory_space<vmem>> -> memref<100xi32, #tpu.memory_space<vmem>>
    %dma_start3A_9 = arith.constant 0 : i32
    %dma_start3A_10 = arith.constant 0 : i32
    %dma_start3A_11 = tpu.memref_slice %arg4[%dma_start3A_9, %dma_start3A_10] : memref<1000000x64xf32, #tpu.memory_space<hbm>> -> memref<1000000x64xf32, #tpu.memory_space<hbm>>
    tpu.enqueue_indirect_dma source(%dma_start3A_11 : memref<1000000x64xf32, #tpu.memory_space<hbm>>) target(%dma_start3A_5 : memref<100x64xf32, #tpu.memory_space<vmem>>) offsets(%dma_start3A_8 : memref<100xi32, #tpu.memory_space<vmem>>) semaphore(%arg10 : memref<!tpu.dma_semaphore, #tpu.memory_space<semaphore_mem>>)
    %dma_start3A_12 = arith.constant 1 : i32
    %dma_start3A_13 = arith.constant 100 : i32
    %dma_start3A_14 = arith.constant 0 : i32
    %dma_start3A_15 = tpu.memref_slice %arg8[%dma_start3A_13, %dma_start3A_14] : memref<400x64xf32, #tpu.memory_space<vmem>> -> memref<100x64xf32, #tpu.memory_space<vmem>>
    %dma_start3A_16 = arith.constant 0 : i32
    %dma_start3A_17 = tpu.memref_slice %arg6[%dma_start3A_12, %dma_start3A_16] : memref<256x100xi32, #tpu.memory_space<vmem>> -> memref<1x100xi32, #tpu.memory_space<vmem>>
    %dma_start3A_18 = tpu.memref_squeeze %dma_start3A_17 : memref<1x100xi32, #tpu.memory_space<vmem>> -> memref<100xi32, #tpu.memory_space<vmem>>
    %dma_start3A_19 = arith.constant 0 : i32
    %dma_start3A_20 = arith.constant 0 : i32
    %dma_start3A_21 = tpu.memref_slice %arg4[%dma_start3A_19, %dma_start3A_20] : memref<1000000x64xf32, #tpu.memory_space<hbm>> -> memref<1000000x64xf32, #tpu.memory_space<hbm>>
    tpu.enqueue_indirect_dma source(%dma_start3A_21 : memref<1000000x64xf32, #tpu.memory_space<hbm>>) target(%dma_start3A_15 : memref<100x64xf32, #tpu.memory_space<vmem>>) offsets(%dma_start3A_18 : memref<100xi32, #tpu.memory_space<vmem>>) semaphore(%arg10 : memref<!tpu.dma_semaphore, #tpu.memory_space<semaphore_mem>>)
    %dma_start3A_22 = arith.constant 2 : i32
    %dma_start3A_23 = arith.constant 200 : i32
    %dma_start3A_24 = arith.constant 0 : i32
    %dma_start3A_25 = tpu.memref_slice %arg8[%dma_start3A_23, %dma_start3A_24] : memref<400x64xf32, #tpu.memory_space<vmem>> -> memref<100x64xf32, #tpu.memory_space<vmem>>
    %dma_start3A_26 = arith.constant 0 : i32
    %dma_start3A_27 = tpu.memref_slice %arg6[%dma_start3A_22, %dma_start3A_26] : memref<256x100xi32, #tpu.memory_space<vmem>> -> memref<1x100xi32, #tpu.memory_space<vmem>>
    %dma_start3A_28 = tpu.memref_squeeze %dma_start3A_27 : memref<1x100xi32, #tpu.memory_space<vmem>> -> memref<100xi32, #tpu.memory_space<vmem>>
    %dma_start3A_29 = arith.constant 0 : i32
    %dma_start3A_30 = arith.constant 0 : i32
    %dma_start3A_31 = tpu.memref_slice %arg4[%dma_start3A_29, %dma_start3A_30] : memref<1000000x64xf32, #tpu.memory_space<hbm>> -> memref<1000000x64xf32, #tpu.memory_space<hbm>>
    tpu.enqueue_indirect_dma source(%dma_start3A_31 : memref<1000000x64xf32, #tpu.memory_space<hbm>>) target(%dma_start3A_25 : memref<100x64xf32, #tpu.memory_space<vmem>>) offsets(%dma_start3A_28 : memref<100xi32, #tpu.memory_space<vmem>>) semaphore(%arg10 : memref<!tpu.dma_semaphore, #tpu.memory_space<semaphore_mem>>)
    %dma_start3A_32 = arith.constant 3 : i32
    %dma_start3A_33 = arith.constant 300 : i32
    %dma_start3A_34 = arith.constant 0 : i32
    %dma_start3A_35 = tpu.memref_slice %arg8[%dma_start3A_33, %dma_start3A_34] : memref<400x64xf32, #tpu.memory_space<vmem>> -> memref<100x64xf32, #tpu.memory_space<vmem>>
    %dma_start3A_36 = arith.constant 0 : i32
    %dma_start3A_37 = tpu.memref_slice %arg6[%dma_start3A_32, %dma_start3A_36] : memref<256x100xi32, #tpu.memory_space<vmem>> -> memref<1x100xi32, #tpu.memory_space<vmem>>
    %dma_start3A_38 = tpu.memref_squeeze %dma_start3A_37 : memref<1x100xi32, #tpu.memory_space<vmem>> -> memref<100xi32, #tpu.memory_space<vmem>>
    %dma_start3A_39 = arith.constant 0 : i32
    %dma_start3A_40 = arith.constant 0 : i32
    %dma_start3A_41 = tpu.memref_slice %arg4[%dma_start3A_39, %dma_start3A_40] : memref<1000000x64xf32, #tpu.memory_space<hbm>> -> memref<1000000x64xf32, #tpu.memory_space<hbm>>
    tpu.enqueue_indirect_dma source(%dma_start3A_41 : memref<1000000x64xf32, #tpu.memory_space<hbm>>) target(%dma_start3A_35 : memref<100x64xf32, #tpu.memory_space<vmem>>) offsets(%dma_start3A_38 : memref<100xi32, #tpu.memory_space<vmem>>) semaphore(%arg10 : memref<!tpu.dma_semaphore, #tpu.memory_space<semaphore_mem>>)
    %scan3A = arith.constant 0 : i32
    %scan3A_42 = arith.constant 0 : i32
    %scan3A_43 = arith.constant 32 : i32
    %scan3A_44 = arith.addi %scan3A_42, %scan3A_43 : i32
    %scan3A_45 = arith.constant 1 : i32
    scf.for %scan3A_54 = %scan3A_42 to %scan3A_44 step %scan3A_45  : i32 {
      %mul3A_55 = arith.constant 2 : i32
      %mul3A_56 = arith.muli %mul3A_55, %scan3A_54 : i32
      %add3A_57 = arith.constant 1 : i32
      %add3A_58 = arith.addi %mul3A_56, %add3A_57 : i32
      %gt3A = arith.constant 0 : i32
      %gt3A_59 = arith.cmpi sgt, %scan3A_54, %gt3A : i32
      %convert_element_type3A = arith.extui %gt3A_59 : i1 to i32
      %cond3A = arith.constant 0 : i32
      %cond3A_60 = arith.cmpi ne, %convert_element_type3A, %cond3A : i32
      scf.if %cond3A_60 {
        %dma_wait3A_338 = arith.constant 0 : i32
        %dma_wait3A_339 = tpu.memref_slice %arg5[%mul3A_2, %dma_wait3A_338] : memref<819200x64xf32, #tpu.memory_space<hbm>> -> memref<400x64xf32, #tpu.memory_space<hbm>>
        %dma_wait3A_340 = arith.constant 0 : i32
        %dma_wait3A_341 = tpu.memref_slice %arg5[%mul3A_2, %dma_wait3A_340] : memref<819200x64xf32, #tpu.memory_space<hbm>> -> memref<400x64xf32, #tpu.memory_space<hbm>>
        tpu.wait_dma2 semaphore(%arg13 : memref<!tpu.dma_semaphore, #tpu.memory_space<semaphore_mem>>) src(%arg9 : memref<400x64xf32, #tpu.memory_space<vmem>>) dst(%dma_wait3A_341 : memref<400x64xf32, #tpu.memory_space<hbm>>)
      } else {
      }
      %mul3A_61 = arith.constant 4 : i32
      %mul3A_62 = arith.muli %add3A_58, %mul3A_61 : i32
      %add3A_63 = arith.constant 0 : i32
      %add3A_64 = arith.addi %mul3A_62, %add3A_63 : i32
      %dma_start3A_65 = arith.constant 0 : i32
      %dma_start3A_66 = arith.constant 0 : i32
      %dma_start3A_67 = tpu.memref_slice %arg9[%dma_start3A_65, %dma_start3A_66] : memref<400x64xf32, #tpu.memory_space<vmem>> -> memref<100x64xf32, #tpu.memory_space<vmem>>
      %dma_start3A_68 = arith.constant 0 : i32
      %dma_start3A_69 = tpu.memref_slice %arg6[%add3A_64, %dma_start3A_68] : memref<256x100xi32, #tpu.memory_space<vmem>> -> memref<1x100xi32, #tpu.memory_space<vmem>>
      %dma_start3A_70 = tpu.memref_squeeze %dma_start3A_69 : memref<1x100xi32, #tpu.memory_space<vmem>> -> memref<100xi32, #tpu.memory_space<vmem>>
      %dma_start3A_71 = arith.constant 0 : i32
      %dma_start3A_72 = arith.constant 0 : i32
      %dma_start3A_73 = tpu.memref_slice %arg4[%dma_start3A_71, %dma_start3A_72] : memref<1000000x64xf32, #tpu.memory_space<hbm>> -> memref<1000000x64xf32, #tpu.memory_space<hbm>>
      tpu.enqueue_indirect_dma source(%dma_start3A_73 : memref<1000000x64xf32, #tpu.memory_space<hbm>>) target(%dma_start3A_67 : memref<100x64xf32, #tpu.memory_space<vmem>>) offsets(%dma_start3A_70 : memref<100xi32, #tpu.memory_space<vmem>>) semaphore(%arg11 : memref<!tpu.dma_semaphore, #tpu.memory_space<semaphore_mem>>)
      %mul3A_74 = arith.constant 4 : i32
      %mul3A_75 = arith.muli %add3A_58, %mul3A_74 : i32
      %add3A_76 = arith.constant 1 : i32
      %add3A_77 = arith.addi %mul3A_75, %add3A_76 : i32
      %dma_start3A_78 = arith.constant 100 : i32
      %dma_start3A_79 = arith.constant 0 : i32
      %dma_start3A_80 = tpu.memref_slice %arg9[%dma_start3A_78, %dma_start3A_79] : memref<400x64xf32, #tpu.memory_space<vmem>> -> memref<100x64xf32, #tpu.memory_space<vmem>>
      %dma_start3A_81 = arith.constant 0 : i32
      %dma_start3A_82 = tpu.memref_slice %arg6[%add3A_77, %dma_start3A_81] : memref<256x100xi32, #tpu.memory_space<vmem>> -> memref<1x100xi32, #tpu.memory_space<vmem>>
      %dma_start3A_83 = tpu.memref_squeeze %dma_start3A_82 : memref<1x100xi32, #tpu.memory_space<vmem>> -> memref<100xi32, #tpu.memory_space<vmem>>
      %dma_start3A_84 = arith.constant 0 : i32
      %dma_start3A_85 = arith.constant 0 : i32
      %dma_start3A_86 = tpu.memref_slice %arg4[%dma_start3A_84, %dma_start3A_85] : memref<1000000x64xf32, #tpu.memory_space<hbm>> -> memref<1000000x64xf32, #tpu.memory_space<hbm>>
      tpu.enqueue_indirect_dma source(%dma_start3A_86 : memref<1000000x64xf32, #tpu.memory_space<hbm>>) target(%dma_start3A_80 : memref<100x64xf32, #tpu.memory_space<vmem>>) offsets(%dma_start3A_83 : memref<100xi32, #tpu.memory_space<vmem>>) semaphore(%arg11 : memref<!tpu.dma_semaphore, #tpu.memory_space<semaphore_mem>>)
      %mul3A_87 = arith.constant 4 : i32
      %mul3A_88 = arith.muli %add3A_58, %mul3A_87 : i32
      %add3A_89 = arith.constant 2 : i32
      %add3A_90 = arith.addi %mul3A_88, %add3A_89 : i32
      %dma_start3A_91 = arith.constant 200 : i32
      %dma_start3A_92 = arith.constant 0 : i32
      %dma_start3A_93 = tpu.memref_slice %arg9[%dma_start3A_91, %dma_start3A_92] : memref<400x64xf32, #tpu.memory_space<vmem>> -> memref<100x64xf32, #tpu.memory_space<vmem>>
      %dma_start3A_94 = arith.constant 0 : i32
      %dma_start3A_95 = tpu.memref_slice %arg6[%add3A_90, %dma_start3A_94] : memref<256x100xi32, #tpu.memory_space<vmem>> -> memref<1x100xi32, #tpu.memory_space<vmem>>
      %dma_start3A_96 = tpu.memref_squeeze %dma_start3A_95 : memref<1x100xi32, #tpu.memory_space<vmem>> -> memref<100xi32, #tpu.memory_space<vmem>>
      %dma_start3A_97 = arith.constant 0 : i32
      %dma_start3A_98 = arith.constant 0 : i32
      %dma_start3A_99 = tpu.memref_slice %arg4[%dma_start3A_97, %dma_start3A_98] : memref<1000000x64xf32, #tpu.memory_space<hbm>> -> memref<1000000x64xf32, #tpu.memory_space<hbm>>
      tpu.enqueue_indirect_dma source(%dma_start3A_99 : memref<1000000x64xf32, #tpu.memory_space<hbm>>) target(%dma_start3A_93 : memref<100x64xf32, #tpu.memory_space<vmem>>) offsets(%dma_start3A_96 : memref<100xi32, #tpu.memory_space<vmem>>) semaphore(%arg11 : memref<!tpu.dma_semaphore, #tpu.memory_space<semaphore_mem>>)
      %mul3A_100 = arith.constant 4 : i32
      %mul3A_101 = arith.muli %add3A_58, %mul3A_100 : i32
      %add3A_102 = arith.constant 3 : i32
      %add3A_103 = arith.addi %mul3A_101, %add3A_102 : i32
      %dma_start3A_104 = arith.constant 300 : i32
      %dma_start3A_105 = arith.constant 0 : i32
      %dma_start3A_106 = tpu.memref_slice %arg9[%dma_start3A_104, %dma_start3A_105] : memref<400x64xf32, #tpu.memory_space<vmem>> -> memref<100x64xf32, #tpu.memory_space<vmem>>
      %dma_start3A_107 = arith.constant 0 : i32
      %dma_start3A_108 = tpu.memref_slice %arg6[%add3A_103, %dma_start3A_107] : memref<256x100xi32, #tpu.memory_space<vmem>> -> memref<1x100xi32, #tpu.memory_space<vmem>>
      %dma_start3A_109 = tpu.memref_squeeze %dma_start3A_108 : memref<1x100xi32, #tpu.memory_space<vmem>> -> memref<100xi32, #tpu.memory_space<vmem>>
      %dma_start3A_110 = arith.constant 0 : i32
      %dma_start3A_111 = arith.constant 0 : i32
      %dma_start3A_112 = tpu.memref_slice %arg4[%dma_start3A_110, %dma_start3A_111] : memref<1000000x64xf32, #tpu.memory_space<hbm>> -> memref<1000000x64xf32, #tpu.memory_space<hbm>>
      tpu.enqueue_indirect_dma source(%dma_start3A_112 : memref<1000000x64xf32, #tpu.memory_space<hbm>>) target(%dma_start3A_106 : memref<100x64xf32, #tpu.memory_space<vmem>>) offsets(%dma_start3A_109 : memref<100xi32, #tpu.memory_space<vmem>>) semaphore(%arg11 : memref<!tpu.dma_semaphore, #tpu.memory_space<semaphore_mem>>)
      %mul3A_113 = arith.constant 4 : i32
      %mul3A_114 = arith.muli %mul3A_56, %mul3A_113 : i32
      %add3A_115 = arith.constant 0 : i32
      %add3A_116 = arith.addi %mul3A_114, %add3A_115 : i32
      %dma_wait3A_117 = arith.constant 0 : i32
      %dma_wait3A_118 = arith.constant 0 : i32
      %dma_wait3A_119 = tpu.memref_slice %arg8[%dma_wait3A_117, %dma_wait3A_118] : memref<400x64xf32, #tpu.memory_space<vmem>> -> memref<100x64xf32, #tpu.memory_space<vmem>>
      %dma_wait3A_120 = arith.constant 0 : i32
      %dma_wait3A_121 = tpu.memref_slice %arg6[%add3A_116, %dma_wait3A_120] : memref<256x100xi32, #tpu.memory_space<vmem>> -> memref<1x100xi32, #tpu.memory_space<vmem>>
      %dma_wait3A_122 = tpu.memref_squeeze %dma_wait3A_121 : memref<1x100xi32, #tpu.memory_space<vmem>> -> memref<100xi32, #tpu.memory_space<vmem>>
      %dma_wait3A_123 = arith.constant 0 : i32
      %dma_wait3A_124 = arith.constant 0 : i32
      %dma_wait3A_125 = tpu.memref_slice %arg4[%dma_wait3A_123, %dma_wait3A_124] : memref<1000000x64xf32, #tpu.memory_space<hbm>> -> memref<1000000x64xf32, #tpu.memory_space<hbm>>
      tpu.wait_indirect_dma semaphore(%arg10 : memref<!tpu.dma_semaphore, #tpu.memory_space<semaphore_mem>>) src(%dma_wait3A_125 : memref<1000000x64xf32, #tpu.memory_space<hbm>>) dst(%dma_wait3A_119 : memref<100x64xf32, #tpu.memory_space<vmem>>)
      %mul3A_126 = arith.constant 4 : i32
      %mul3A_127 = arith.muli %mul3A_56, %mul3A_126 : i32
      %add3A_128 = arith.constant 1 : i32
      %add3A_129 = arith.addi %mul3A_127, %add3A_128 : i32
      %dma_wait3A_130 = arith.constant 100 : i32
      %dma_wait3A_131 = arith.constant 0 : i32
      %dma_wait3A_132 = tpu.memref_slice %arg8[%dma_wait3A_130, %dma_wait3A_131] : memref<400x64xf32, #tpu.memory_space<vmem>> -> memref<100x64xf32, #tpu.memory_space<vmem>>
      %dma_wait3A_133 = arith.constant 0 : i32
      %dma_wait3A_134 = tpu.memref_slice %arg6[%add3A_129, %dma_wait3A_133] : memref<256x100xi32, #tpu.memory_space<vmem>> -> memref<1x100xi32, #tpu.memory_space<vmem>>
      %dma_wait3A_135 = tpu.memref_squeeze %dma_wait3A_134 : memref<1x100xi32, #tpu.memory_space<vmem>> -> memref<100xi32, #tpu.memory_space<vmem>>
      %dma_wait3A_136 = arith.constant 0 : i32
      %dma_wait3A_137 = arith.constant 0 : i32
      %dma_wait3A_138 = tpu.memref_slice %arg4[%dma_wait3A_136, %dma_wait3A_137] : memref<1000000x64xf32, #tpu.memory_space<hbm>> -> memref<1000000x64xf32, #tpu.memory_space<hbm>>
      tpu.wait_indirect_dma semaphore(%arg10 : memref<!tpu.dma_semaphore, #tpu.memory_space<semaphore_mem>>) src(%dma_wait3A_138 : memref<1000000x64xf32, #tpu.memory_space<hbm>>) dst(%dma_wait3A_132 : memref<100x64xf32, #tpu.memory_space<vmem>>)
      %mul3A_139 = arith.constant 4 : i32
      %mul3A_140 = arith.muli %mul3A_56, %mul3A_139 : i32
      %add3A_141 = arith.constant 2 : i32
      %add3A_142 = arith.addi %mul3A_140, %add3A_141 : i32
      %dma_wait3A_143 = arith.constant 200 : i32
      %dma_wait3A_144 = arith.constant 0 : i32
      %dma_wait3A_145 = tpu.memref_slice %arg8[%dma_wait3A_143, %dma_wait3A_144] : memref<400x64xf32, #tpu.memory_space<vmem>> -> memref<100x64xf32, #tpu.memory_space<vmem>>
      %dma_wait3A_146 = arith.constant 0 : i32
      %dma_wait3A_147 = tpu.memref_slice %arg6[%add3A_142, %dma_wait3A_146] : memref<256x100xi32, #tpu.memory_space<vmem>> -> memref<1x100xi32, #tpu.memory_space<vmem>>
      %dma_wait3A_148 = tpu.memref_squeeze %dma_wait3A_147 : memref<1x100xi32, #tpu.memory_space<vmem>> -> memref<100xi32, #tpu.memory_space<vmem>>
      %dma_wait3A_149 = arith.constant 0 : i32
      %dma_wait3A_150 = arith.constant 0 : i32
      %dma_wait3A_151 = tpu.memref_slice %arg4[%dma_wait3A_149, %dma_wait3A_150] : memref<1000000x64xf32, #tpu.memory_space<hbm>> -> memref<1000000x64xf32, #tpu.memory_space<hbm>>
      tpu.wait_indirect_dma semaphore(%arg10 : memref<!tpu.dma_semaphore, #tpu.memory_space<semaphore_mem>>) src(%dma_wait3A_151 : memref<1000000x64xf32, #tpu.memory_space<hbm>>) dst(%dma_wait3A_145 : memref<100x64xf32, #tpu.memory_space<vmem>>)
      %mul3A_152 = arith.constant 4 : i32
      %mul3A_153 = arith.muli %mul3A_56, %mul3A_152 : i32
      %add3A_154 = arith.constant 3 : i32
      %add3A_155 = arith.addi %mul3A_153, %add3A_154 : i32
      %dma_wait3A_156 = arith.constant 300 : i32
      %dma_wait3A_157 = arith.constant 0 : i32
      %dma_wait3A_158 = tpu.memref_slice %arg8[%dma_wait3A_156, %dma_wait3A_157] : memref<400x64xf32, #tpu.memory_space<vmem>> -> memref<100x64xf32, #tpu.memory_space<vmem>>
      %dma_wait3A_159 = arith.constant 0 : i32
      %dma_wait3A_160 = tpu.memref_slice %arg6[%add3A_155, %dma_wait3A_159] : memref<256x100xi32, #tpu.memory_space<vmem>> -> memref<1x100xi32, #tpu.memory_space<vmem>>
      %dma_wait3A_161 = tpu.memref_squeeze %dma_wait3A_160 : memref<1x100xi32, #tpu.memory_space<vmem>> -> memref<100xi32, #tpu.memory_space<vmem>>
      %dma_wait3A_162 = arith.constant 0 : i32
      %dma_wait3A_163 = arith.constant 0 : i32
      %dma_wait3A_164 = tpu.memref_slice %arg4[%dma_wait3A_162, %dma_wait3A_163] : memref<1000000x64xf32, #tpu.memory_space<hbm>> -> memref<1000000x64xf32, #tpu.memory_space<hbm>>
      tpu.wait_indirect_dma semaphore(%arg10 : memref<!tpu.dma_semaphore, #tpu.memory_space<semaphore_mem>>) src(%dma_wait3A_164 : memref<1000000x64xf32, #tpu.memory_space<hbm>>) dst(%dma_wait3A_158 : memref<100x64xf32, #tpu.memory_space<vmem>>)
      %mul3A_165 = arith.constant 2 : i32
      %mul3A_166 = arith.muli %mul3A_56, %mul3A_165 : i32
      %add3A_167 = arith.constant 0 : i32
      %add3A_168 = arith.addi %mul3A_166, %add3A_167 : i32
      %get3A = arith.index_cast %add3A_168 : i32 to index
      %get3A_169 = arith.constant 0 : index
      %get3A_170 = tpu.vector_load %arg7[%get3A, %get3A_169] {strides = array<i32>} : memref<128x64xf32, #tpu.memory_space<vmem>>, vector<1x16xf32>,
      %get3A_171 = vector.shape_cast %get3A_170 : vector<1x16xf32> to vector<16xf32>
      %get3A_172 = arith.index_cast %add3A_168 : i32 to index
      %get3A_173 = arith.constant 16 : index
      %get3A_174 = tpu.vector_load %arg7[%get3A_172, %get3A_173] {strides = array<i32>} : memref<128x64xf32, #tpu.memory_space<vmem>>, vector<1x16xf32>,
      %get3A_175 = vector.shape_cast %get3A_174 : vector<1x16xf32> to vector<16xf32>
      %get3A_176 = arith.index_cast %add3A_168 : i32 to index
      %get3A_177 = arith.constant 32 : index
      %get3A_178 = tpu.vector_load %arg7[%get3A_176, %get3A_177] {strides = array<i32>} : memref<128x64xf32, #tpu.memory_space<vmem>>, vector<1x16xf32>,
      %get3A_179 = vector.shape_cast %get3A_178 : vector<1x16xf32> to vector<16xf32>
      %get3A_180 = arith.index_cast %add3A_168 : i32 to index
      %get3A_181 = arith.constant 48 : index
      %get3A_182 = tpu.vector_load %arg7[%get3A_180, %get3A_181] {strides = array<i32>} : memref<128x64xf32, #tpu.memory_space<vmem>>, vector<1x16xf32>,
      %get3A_183 = vector.shape_cast %get3A_182 : vector<1x16xf32> to vector<16xf32>
      %scan3A_184 = arith.constant 0 : i32
      %scan3A_185 = arith.constant 0 : i32
      %scan3A_186 = arith.constant 200 : i32
      %scan3A_187 = arith.addi %scan3A_185, %scan3A_186 : i32
      %scan3A_188 = arith.constant 8 : i32
      scf.for %scan3A_338 = %scan3A_185 to %scan3A_187 step %scan3A_188  : i32 {
        %add3A_339 = arith.constant 0 : i32
        %add3A_340 = arith.addi %add3A_339, %scan3A_338 : i32
        %swap3A = arith.index_cast %add3A_340 : i32 to index
        %swap3A_341 = arith.constant 0 : index
        %swap3A_342 = tpu.vector_load %arg8[%swap3A, %swap3A_341] {strides = array<i32>} : memref<400x64xf32, #tpu.memory_space<vmem>>, vector<1x16xf32>,
        %swap3A_343 = vector.shape_cast %swap3A_342 : vector<1x16xf32> to vector<16xf32>
        %swap3A_344 = vector.shape_cast %get3A_171 : vector<16xf32> to vector<1x16xf32>
        tpu.vector_store %arg8[%swap3A, %swap3A_341], %swap3A_344 {add = true, strides = array<i32>} : memref<400x64xf32, #tpu.memory_space<vmem>>, vector<1x16xf32>,
        %add3A_345 = arith.constant 0 : i32
        %add3A_346 = arith.addi %add3A_345, %scan3A_338 : i32
        %swap3A_347 = arith.index_cast %add3A_346 : i32 to index
        %swap3A_348 = arith.constant 16 : index
        %swap3A_349 = tpu.vector_load %arg8[%swap3A_347, %swap3A_348] {strides = array<i32>} : memref<400x64xf32, #tpu.memory_space<vmem>>, vector<1x16xf32>,
        %swap3A_350 = vector.shape_cast %swap3A_349 : vector<1x16xf32> to vector<16xf32>
        %swap3A_351 = vector.shape_cast %get3A_175 : vector<16xf32> to vector<1x16xf32>
        tpu.vector_store %arg8[%swap3A_347, %swap3A_348], %swap3A_351 {add = true, strides = array<i32>} : memref<400x64xf32, #tpu.memory_space<vmem>>, vector<1x16xf32>,
        %add3A_352 = arith.constant 0 : i32
        %add3A_353 = arith.addi %add3A_352, %scan3A_338 : i32
        %swap3A_354 = arith.index_cast %add3A_353 : i32 to index
        %swap3A_355 = arith.constant 32 : index
        %swap3A_356 = tpu.vector_load %arg8[%swap3A_354, %swap3A_355] {strides = array<i32>} : memref<400x64xf32, #tpu.memory_space<vmem>>, vector<1x16xf32>,
        %swap3A_357 = vector.shape_cast %swap3A_356 : vector<1x16xf32> to vector<16xf32>
        %swap3A_358 = vector.shape_cast %get3A_179 : vector<16xf32> to vector<1x16xf32>
        tpu.vector_store %arg8[%swap3A_354, %swap3A_355], %swap3A_358 {add = true, strides = array<i32>} : memref<400x64xf32, #tpu.memory_space<vmem>>, vector<1x16xf32>,
        %add3A_359 = arith.constant 0 : i32
        %add3A_360 = arith.addi %add3A_359, %scan3A_338 : i32
        %swap3A_361 = arith.index_cast %add3A_360 : i32 to index
        %swap3A_362 = arith.constant 48 : index
        %swap3A_363 = tpu.vector_load %arg8[%swap3A_361, %swap3A_362] {strides = array<i32>} : memref<400x64xf32, #tpu.memory_space<vmem>>, vector<1x16xf32>,
        %swap3A_364 = vector.shape_cast %swap3A_363 : vector<1x16xf32> to vector<16xf32>
        %swap3A_365 = vector.shape_cast %get3A_183 : vector<16xf32> to vector<1x16xf32>
        tpu.vector_store %arg8[%swap3A_361, %swap3A_362], %swap3A_365 {add = true, strides = array<i32>} : memref<400x64xf32, #tpu.memory_space<vmem>>, vector<1x16xf32>,
        %scan3A_366 = arith.constant 1 : i32
        %scan3A_367 = arith.addi %scan3A_338, %scan3A_366 : i32
        %add3A_368 = arith.constant 0 : i32
        %add3A_369 = arith.addi %add3A_368, %scan3A_367 : i32
        %swap3A_370 = arith.index_cast %add3A_369 : i32 to index
        %swap3A_371 = arith.constant 0 : index
        %swap3A_372 = tpu.vector_load %arg8[%swap3A_370, %swap3A_371] {strides = array<i32>} : memref<400x64xf32, #tpu.memory_space<vmem>>, vector<1x16xf32>,
        %swap3A_373 = vector.shape_cast %swap3A_372 : vector<1x16xf32> to vector<16xf32>
        %swap3A_374 = vector.shape_cast %get3A_171 : vector<16xf32> to vector<1x16xf32>
        tpu.vector_store %arg8[%swap3A_370, %swap3A_371], %swap3A_374 {add = true, strides = array<i32>} : memref<400x64xf32, #tpu.memory_space<vmem>>, vector<1x16xf32>,
        %add3A_375 = arith.constant 0 : i32
        %add3A_376 = arith.addi %add3A_375, %scan3A_367 : i32
        %swap3A_377 = arith.index_cast %add3A_376 : i32 to index
        %swap3A_378 = arith.constant 16 : index
        %swap3A_379 = tpu.vector_load %arg8[%swap3A_377, %swap3A_378] {strides = array<i32>} : memref<400x64xf32, #tpu.memory_space<vmem>>, vector<1x16xf32>,
        %swap3A_380 = vector.shape_cast %swap3A_379 : vector<1x16xf32> to vector<16xf32>
        %swap3A_381 = vector.shape_cast %get3A_175 : vector<16xf32> to vector<1x16xf32>
        tpu.vector_store %arg8[%swap3A_377, %swap3A_378], %swap3A_381 {add = true, strides = array<i32>} : memref<400x64xf32, #tpu.memory_space<vmem>>, vector<1x16xf32>,
        %add3A_382 = arith.constant 0 : i32
        %add3A_383 = arith.addi %add3A_382, %scan3A_367 : i32
        %swap3A_384 = arith.index_cast %add3A_383 : i32 to index
        %swap3A_385 = arith.constant 32 : index
        %swap3A_386 = tpu.vector_load %arg8[%swap3A_384, %swap3A_385] {strides = array<i32>} : memref<400x64xf32, #tpu.memory_space<vmem>>, vector<1x16xf32>,
        %swap3A_387 = vector.shape_cast %swap3A_386 : vector<1x16xf32> to vector<16xf32>
        %swap3A_388 = vector.shape_cast %get3A_179 : vector<16xf32> to vector<1x16xf32>
        tpu.vector_store %arg8[%swap3A_384, %swap3A_385], %swap3A_388 {add = true, strides = array<i32>} : memref<400x64xf32, #tpu.memory_space<vmem>>, vector<1x16xf32>,
        %add3A_389 = arith.constant 0 : i32
        %add3A_390 = arith.addi %add3A_389, %scan3A_367 : i32
        %swap3A_391 = arith.index_cast %add3A_390 : i32 to index
        %swap3A_392 = arith.constant 48 : index
        %swap3A_393 = tpu.vector_load %arg8[%swap3A_391, %swap3A_392] {strides = array<i32>} : memref<400x64xf32, #tpu.memory_space<vmem>>, vector<1x16xf32>,
        %swap3A_394 = vector.shape_cast %swap3A_393 : vector<1x16xf32> to vector<16xf32>
        %swap3A_395 = vector.shape_cast %get3A_183 : vector<16xf32> to vector<1x16xf32>
        tpu.vector_store %arg8[%swap3A_391, %swap3A_392], %swap3A_395 {add = true, strides = array<i32>} : memref<400x64xf32, #tpu.memory_space<vmem>>, vector<1x16xf32>,
        %scan3A_396 = arith.constant 2 : i32
        %scan3A_397 = arith.addi %scan3A_338, %scan3A_396 : i32
        %add3A_398 = arith.constant 0 : i32
        %add3A_399 = arith.addi %add3A_398, %scan3A_397 : i32
        %swap3A_400 = arith.index_cast %add3A_399 : i32 to index
        %swap3A_401 = arith.constant 0 : index
        %swap3A_402 = tpu.vector_load %arg8[%swap3A_400, %swap3A_401] {strides = array<i32>} : memref<400x64xf32, #tpu.memory_space<vmem>>, vector<1x16xf32>,
        %swap3A_403 = vector.shape_cast %swap3A_402 : vector<1x16xf32> to vector<16xf32>
        %swap3A_404 = vector.shape_cast %get3A_171 : vector<16xf32> to vector<1x16xf32>
        tpu.vector_store %arg8[%swap3A_400, %swap3A_401], %swap3A_404 {add = true, strides = array<i32>} : memref<400x64xf32, #tpu.memory_space<vmem>>, vector<1x16xf32>,
        %add3A_405 = arith.constant 0 : i32
        %add3A_406 = arith.addi %add3A_405, %scan3A_397 : i32
        %swap3A_407 = arith.index_cast %add3A_406 : i32 to index
        %swap3A_408 = arith.constant 16 : index
        %swap3A_409 = tpu.vector_load %arg8[%swap3A_407, %swap3A_408] {strides = array<i32>} : memref<400x64xf32, #tpu.memory_space<vmem>>, vector<1x16xf32>,
        %swap3A_410 = vector.shape_cast %swap3A_409 : vector<1x16xf32> to vector<16xf32>
        %swap3A_411 = vector.shape_cast %get3A_175 : vector<16xf32> to vector<1x16xf32>
        tpu.vector_store %arg8[%swap3A_407, %swap3A_408], %swap3A_411 {add = true, strides = array<i32>} : memref<400x64xf32, #tpu.memory_space<vmem>>, vector<1x16xf32>,
        %add3A_412 = arith.constant 0 : i32
        %add3A_413 = arith.addi %add3A_412, %scan3A_397 : i32
        %swap3A_414 = arith.index_cast %add3A_413 : i32 to index
        %swap3A_415 = arith.constant 32 : index
        %swap3A_416 = tpu.vector_load %arg8[%swap3A_414, %swap3A_415] {strides = array<i32>} : memref<400x64xf32, #tpu.memory_space<vmem>>, vector<1x16xf32>,
        %swap3A_417 = vector.shape_cast %swap3A_416 : vector<1x16xf32> to vector<16xf32>
        %swap3A_418 = vector.shape_cast %get3A_179 : vector<16xf32> to vector<1x16xf32>
        tpu.vector_store %arg8[%swap3A_414, %swap3A_415], %swap3A_418 {add = true, strides = array<i32>} : memref<400x64xf32, #tpu.memory_space<vmem>>, vector<1x16xf32>,
        %add3A_419 = arith.constant 0 : i32
        %add3A_420 = arith.addi %add3A_419, %scan3A_397 : i32
        %swap3A_421 = arith.index_cast %add3A_420 : i32 to index
        %swap3A_422 = arith.constant 48 : index
        %swap3A_423 = tpu.vector_load %arg8[%swap3A_421, %swap3A_422] {strides = array<i32>} : memref<400x64xf32, #tpu.memory_space<vmem>>, vector<1x16xf32>,
        %swap3A_424 = vector.shape_cast %swap3A_423 : vector<1x16xf32> to vector<16xf32>
        %swap3A_425 = vector.shape_cast %get3A_183 : vector<16xf32> to vector<1x16xf32>
        tpu.vector_store %arg8[%swap3A_421, %swap3A_422], %swap3A_425 {add = true, strides = array<i32>} : memref<400x64xf32, #tpu.memory_space<vmem>>, vector<1x16xf32>,
        %scan3A_426 = arith.constant 3 : i32
        %scan3A_427 = arith.addi %scan3A_338, %scan3A_426 : i32
        %add3A_428 = arith.constant 0 : i32
        %add3A_429 = arith.addi %add3A_428, %scan3A_427 : i32
        %swap3A_430 = arith.index_cast %add3A_429 : i32 to index
        %swap3A_431 = arith.constant 0 : index
        %swap3A_432 = tpu.vector_load %arg8[%swap3A_430, %swap3A_431] {strides = array<i32>} : memref<400x64xf32, #tpu.memory_space<vmem>>, vector<1x16xf32>,
        %swap3A_433 = vector.shape_cast %swap3A_432 : vector<1x16xf32> to vector<16xf32>
        %swap3A_434 = vector.shape_cast %get3A_171 : vector<16xf32> to vector<1x16xf32>
        tpu.vector_store %arg8[%swap3A_430, %swap3A_431], %swap3A_434 {add = true, strides = array<i32>} : memref<400x64xf32, #tpu.memory_space<vmem>>, vector<1x16xf32>,
        %add3A_435 = arith.constant 0 : i32
        %add3A_436 = arith.addi %add3A_435, %scan3A_427 : i32
        %swap3A_437 = arith.index_cast %add3A_436 : i32 to index
        %swap3A_438 = arith.constant 16 : index
        %swap3A_439 = tpu.vector_load %arg8[%swap3A_437, %swap3A_438] {strides = array<i32>} : memref<400x64xf32, #tpu.memory_space<vmem>>, vector<1x16xf32>,
        %swap3A_440 = vector.shape_cast %swap3A_439 : vector<1x16xf32> to vector<16xf32>
        %swap3A_441 = vector.shape_cast %get3A_175 : vector<16xf32> to vector<1x16xf32>
        tpu.vector_store %arg8[%swap3A_437, %swap3A_438], %swap3A_441 {add = true, strides = array<i32>} : memref<400x64xf32, #tpu.memory_space<vmem>>, vector<1x16xf32>,
        %add3A_442 = arith.constant 0 : i32
        %add3A_443 = arith.addi %add3A_442, %scan3A_427 : i32
        %swap3A_444 = arith.index_cast %add3A_443 : i32 to index
        %swap3A_445 = arith.constant 32 : index
        %swap3A_446 = tpu.vector_load %arg8[%swap3A_444, %swap3A_445] {strides = array<i32>} : memref<400x64xf32, #tpu.memory_space<vmem>>, vector<1x16xf32>,
        %swap3A_447 = vector.shape_cast %swap3A_446 : vector<1x16xf32> to vector<16xf32>
        %swap3A_448 = vector.shape_cast %get3A_179 : vector<16xf32> to vector<1x16xf32>
        tpu.vector_store %arg8[%swap3A_444, %swap3A_445], %swap3A_448 {add = true, strides = array<i32>} : memref<400x64xf32, #tpu.memory_space<vmem>>, vector<1x16xf32>,
        %add3A_449 = arith.constant 0 : i32
        %add3A_450 = arith.addi %add3A_449, %scan3A_427 : i32
        %swap3A_451 = arith.index_cast %add3A_450 : i32 to index
        %swap3A_452 = arith.constant 48 : index
        %swap3A_453 = tpu.vector_load %arg8[%swap3A_451, %swap3A_452] {strides = array<i32>} : memref<400x64xf32, #tpu.memory_space<vmem>>, vector<1x16xf32>,
        %swap3A_454 = vector.shape_cast %swap3A_453 : vector<1x16xf32> to vector<16xf32>
        %swap3A_455 = vector.shape_cast %get3A_183 : vector<16xf32> to vector<1x16xf32>
        tpu.vector_store %arg8[%swap3A_451, %swap3A_452], %swap3A_455 {add = true, strides = array<i32>} : memref<400x64xf32, #tpu.memory_space<vmem>>, vector<1x16xf32>,
        %scan3A_456 = arith.constant 4 : i32
        %scan3A_457 = arith.addi %scan3A_338, %scan3A_456 : i32
        %add3A_458 = arith.constant 0 : i32
        %add3A_459 = arith.addi %add3A_458, %scan3A_457 : i32
        %swap3A_460 = arith.index_cast %add3A_459 : i32 to index
        %swap3A_461 = arith.constant 0 : index
        %swap3A_462 = tpu.vector_load %arg8[%swap3A_460, %swap3A_461] {strides = array<i32>} : memref<400x64xf32, #tpu.memory_space<vmem>>, vector<1x16xf32>,
        %swap3A_463 = vector.shape_cast %swap3A_462 : vector<1x16xf32> to vector<16xf32>
        %swap3A_464 = vector.shape_cast %get3A_171 : vector<16xf32> to vector<1x16xf32>
        tpu.vector_store %arg8[%swap3A_460, %swap3A_461], %swap3A_464 {add = true, strides = array<i32>} : memref<400x64xf32, #tpu.memory_space<vmem>>, vector<1x16xf32>,
        %add3A_465 = arith.constant 0 : i32
        %add3A_466 = arith.addi %add3A_465, %scan3A_457 : i32
        %swap3A_467 = arith.index_cast %add3A_466 : i32 to index
        %swap3A_468 = arith.constant 16 : index
        %swap3A_469 = tpu.vector_load %arg8[%swap3A_467, %swap3A_468] {strides = array<i32>} : memref<400x64xf32, #tpu.memory_space<vmem>>, vector<1x16xf32>,
        %swap3A_470 = vector.shape_cast %swap3A_469 : vector<1x16xf32> to vector<16xf32>
        %swap3A_471 = vector.shape_cast %get3A_175 : vector<16xf32> to vector<1x16xf32>
        tpu.vector_store %arg8[%swap3A_467, %swap3A_468], %swap3A_471 {add = true, strides = array<i32>} : memref<400x64xf32, #tpu.memory_space<vmem>>, vector<1x16xf32>,
        %add3A_472 = arith.constant 0 : i32
        %add3A_473 = arith.addi %add3A_472, %scan3A_457 : i32
        %swap3A_474 = arith.index_cast %add3A_473 : i32 to index
        %swap3A_475 = arith.constant 32 : index
        %swap3A_476 = tpu.vector_load %arg8[%swap3A_474, %swap3A_475] {strides = array<i32>} : memref<400x64xf32, #tpu.memory_space<vmem>>, vector<1x16xf32>,
        %swap3A_477 = vector.shape_cast %swap3A_476 : vector<1x16xf32> to vector<16xf32>
        %swap3A_478 = vector.shape_cast %get3A_179 : vector<16xf32> to vector<1x16xf32>
        tpu.vector_store %arg8[%swap3A_474, %swap3A_475], %swap3A_478 {add = true, strides = array<i32>} : memref<400x64xf32, #tpu.memory_space<vmem>>, vector<1x16xf32>,
        %add3A_479 = arith.constant 0 : i32
        %add3A_480 = arith.addi %add3A_479, %scan3A_457 : i32
        %swap3A_481 = arith.index_cast %add3A_480 : i32 to index
        %swap3A_482 = arith.constant 48 : index
        %swap3A_483 = tpu.vector_load %arg8[%swap3A_481, %swap3A_482] {strides = array<i32>} : memref<400x64xf32, #tpu.memory_space<vmem>>, vector<1x16xf32>,
        %swap3A_484 = vector.shape_cast %swap3A_483 : vector<1x16xf32> to vector<16xf32>
        %swap3A_485 = vector.shape_cast %get3A_183 : vector<16xf32> to vector<1x16xf32>
        tpu.vector_store %arg8[%swap3A_481, %swap3A_482], %swap3A_485 {add = true, strides = array<i32>} : memref<400x64xf32, #tpu.memory_space<vmem>>, vector<1x16xf32>,
        %scan3A_486 = arith.constant 5 : i32
        %scan3A_487 = arith.addi %scan3A_338, %scan3A_486 : i32
        %add3A_488 = arith.constant 0 : i32
        %add3A_489 = arith.addi %add3A_488, %scan3A_487 : i32
        %swap3A_490 = arith.index_cast %add3A_489 : i32 to index
        %swap3A_491 = arith.constant 0 : index
        %swap3A_492 = tpu.vector_load %arg8[%swap3A_490, %swap3A_491] {strides = array<i32>} : memref<400x64xf32, #tpu.memory_space<vmem>>, vector<1x16xf32>,
        %swap3A_493 = vector.shape_cast %swap3A_492 : vector<1x16xf32> to vector<16xf32>
        %swap3A_494 = vector.shape_cast %get3A_171 : vector<16xf32> to vector<1x16xf32>
        tpu.vector_store %arg8[%swap3A_490, %swap3A_491], %swap3A_494 {add = true, strides = array<i32>} : memref<400x64xf32, #tpu.memory_space<vmem>>, vector<1x16xf32>,
        %add3A_495 = arith.constant 0 : i32
        %add3A_496 = arith.addi %add3A_495, %scan3A_487 : i32
        %swap3A_497 = arith.index_cast %add3A_496 : i32 to index
        %swap3A_498 = arith.constant 16 : index
        %swap3A_499 = tpu.vector_load %arg8[%swap3A_497, %swap3A_498] {strides = array<i32>} : memref<400x64xf32, #tpu.memory_space<vmem>>, vector<1x16xf32>,
        %swap3A_500 = vector.shape_cast %swap3A_499 : vector<1x16xf32> to vector<16xf32>
        %swap3A_501 = vector.shape_cast %get3A_175 : vector<16xf32> to vector<1x16xf32>
        tpu.vector_store %arg8[%swap3A_497, %swap3A_498], %swap3A_501 {add = true, strides = array<i32>} : memref<400x64xf32, #tpu.memory_space<vmem>>, vector<1x16xf32>,
        %add3A_502 = arith.constant 0 : i32
        %add3A_503 = arith.addi %add3A_502, %scan3A_487 : i32
        %swap3A_504 = arith.index_cast %add3A_503 : i32 to index
        %swap3A_505 = arith.constant 32 : index
        %swap3A_506 = tpu.vector_load %arg8[%swap3A_504, %swap3A_505] {strides = array<i32>} : memref<400x64xf32, #tpu.memory_space<vmem>>, vector<1x16xf32>,
        %swap3A_507 = vector.shape_cast %swap3A_506 : vector<1x16xf32> to vector<16xf32>
        %swap3A_508 = vector.shape_cast %get3A_179 : vector<16xf32> to vector<1x16xf32>
        tpu.vector_store %arg8[%swap3A_504, %swap3A_505], %swap3A_508 {add = true, strides = array<i32>} : memref<400x64xf32, #tpu.memory_space<vmem>>, vector<1x16xf32>,
        %add3A_509 = arith.constant 0 : i32
        %add3A_510 = arith.addi %add3A_509, %scan3A_487 : i32
        %swap3A_511 = arith.index_cast %add3A_510 : i32 to index
        %swap3A_512 = arith.constant 48 : index
        %swap3A_513 = tpu.vector_load %arg8[%swap3A_511, %swap3A_512] {strides = array<i32>} : memref<400x64xf32, #tpu.memory_space<vmem>>, vector<1x16xf32>,
        %swap3A_514 = vector.shape_cast %swap3A_513 : vector<1x16xf32> to vector<16xf32>
        %swap3A_515 = vector.shape_cast %get3A_183 : vector<16xf32> to vector<1x16xf32>
        tpu.vector_store %arg8[%swap3A_511, %swap3A_512], %swap3A_515 {add = true, strides = array<i32>} : memref<400x64xf32, #tpu.memory_space<vmem>>, vector<1x16xf32>,
        %scan3A_516 = arith.constant 6 : i32
        %scan3A_517 = arith.addi %scan3A_338, %scan3A_516 : i32
        %add3A_518 = arith.constant 0 : i32
        %add3A_519 = arith.addi %add3A_518, %scan3A_517 : i32
        %swap3A_520 = arith.index_cast %add3A_519 : i32 to index
        %swap3A_521 = arith.constant 0 : index
        %swap3A_522 = tpu.vector_load %arg8[%swap3A_520, %swap3A_521] {strides = array<i32>} : memref<400x64xf32, #tpu.memory_space<vmem>>, vector<1x16xf32>,
        %swap3A_523 = vector.shape_cast %swap3A_522 : vector<1x16xf32> to vector<16xf32>
        %swap3A_524 = vector.shape_cast %get3A_171 : vector<16xf32> to vector<1x16xf32>
        tpu.vector_store %arg8[%swap3A_520, %swap3A_521], %swap3A_524 {add = true, strides = array<i32>} : memref<400x64xf32, #tpu.memory_space<vmem>>, vector<1x16xf32>,
        %add3A_525 = arith.constant 0 : i32
        %add3A_526 = arith.addi %add3A_525, %scan3A_517 : i32
        %swap3A_527 = arith.index_cast %add3A_526 : i32 to index
        %swap3A_528 = arith.constant 16 : index
        %swap3A_529 = tpu.vector_load %arg8[%swap3A_527, %swap3A_528] {strides = array<i32>} : memref<400x64xf32, #tpu.memory_space<vmem>>, vector<1x16xf32>,
        %swap3A_530 = vector.shape_cast %swap3A_529 : vector<1x16xf32> to vector<16xf32>
        %swap3A_531 = vector.shape_cast %get3A_175 : vector<16xf32> to vector<1x16xf32>
        tpu.vector_store %arg8[%swap3A_527, %swap3A_528], %swap3A_531 {add = true, strides = array<i32>} : memref<400x64xf32, #tpu.memory_space<vmem>>, vector<1x16xf32>,
        %add3A_532 = arith.constant 0 : i32
        %add3A_533 = arith.addi %add3A_532, %scan3A_517 : i32
        %swap3A_534 = arith.index_cast %add3A_533 : i32 to index
        %swap3A_535 = arith.constant 32 : index
        %swap3A_536 = tpu.vector_load %arg8[%swap3A_534, %swap3A_535] {strides = array<i32>} : memref<400x64xf32, #tpu.memory_space<vmem>>, vector<1x16xf32>,
        %swap3A_537 = vector.shape_cast %swap3A_536 : vector<1x16xf32> to vector<16xf32>
        %swap3A_538 = vector.shape_cast %get3A_179 : vector<16xf32> to vector<1x16xf32>
        tpu.vector_store %arg8[%swap3A_534, %swap3A_535], %swap3A_538 {add = true, strides = array<i32>} : memref<400x64xf32, #tpu.memory_space<vmem>>, vector<1x16xf32>,
        %add3A_539 = arith.constant 0 : i32
        %add3A_540 = arith.addi %add3A_539, %scan3A_517 : i32
        %swap3A_541 = arith.index_cast %add3A_540 : i32 to index
        %swap3A_542 = arith.constant 48 : index
        %swap3A_543 = tpu.vector_load %arg8[%swap3A_541, %swap3A_542] {strides = array<i32>} : memref<400x64xf32, #tpu.memory_space<vmem>>, vector<1x16xf32>,
        %swap3A_544 = vector.shape_cast %swap3A_543 : vector<1x16xf32> to vector<16xf32>
        %swap3A_545 = vector.shape_cast %get3A_183 : vector<16xf32> to vector<1x16xf32>
        tpu.vector_store %arg8[%swap3A_541, %swap3A_542], %swap3A_545 {add = true, strides = array<i32>} : memref<400x64xf32, #tpu.memory_space<vmem>>, vector<1x16xf32>,
        %scan3A_546 = arith.constant 7 : i32
        %scan3A_547 = arith.addi %scan3A_338, %scan3A_546 : i32
        %add3A_548 = arith.constant 0 : i32
        %add3A_549 = arith.addi %add3A_548, %scan3A_547 : i32
        %swap3A_550 = arith.index_cast %add3A_549 : i32 to index
        %swap3A_551 = arith.constant 0 : index
        %swap3A_552 = tpu.vector_load %arg8[%swap3A_550, %swap3A_551] {strides = array<i32>} : memref<400x64xf32, #tpu.memory_space<vmem>>, vector<1x16xf32>,
        %swap3A_553 = vector.shape_cast %swap3A_552 : vector<1x16xf32> to vector<16xf32>
        %swap3A_554 = vector.shape_cast %get3A_171 : vector<16xf32> to vector<1x16xf32>
        tpu.vector_store %arg8[%swap3A_550, %swap3A_551], %swap3A_554 {add = true, strides = array<i32>} : memref<400x64xf32, #tpu.memory_space<vmem>>, vector<1x16xf32>,
        %add3A_555 = arith.constant 0 : i32
        %add3A_556 = arith.addi %add3A_555, %scan3A_547 : i32
        %swap3A_557 = arith.index_cast %add3A_556 : i32 to index
        %swap3A_558 = arith.constant 16 : index
        %swap3A_559 = tpu.vector_load %arg8[%swap3A_557, %swap3A_558] {strides = array<i32>} : memref<400x64xf32, #tpu.memory_space<vmem>>, vector<1x16xf32>,
        %swap3A_560 = vector.shape_cast %swap3A_559 : vector<1x16xf32> to vector<16xf32>
        %swap3A_561 = vector.shape_cast %get3A_175 : vector<16xf32> to vector<1x16xf32>
        tpu.vector_store %arg8[%swap3A_557, %swap3A_558], %swap3A_561 {add = true, strides = array<i32>} : memref<400x64xf32, #tpu.memory_space<vmem>>, vector<1x16xf32>,
        %add3A_562 = arith.constant 0 : i32
        %add3A_563 = arith.addi %add3A_562, %scan3A_547 : i32
        %swap3A_564 = arith.index_cast %add3A_563 : i32 to index
        %swap3A_565 = arith.constant 32 : index
        %swap3A_566 = tpu.vector_load %arg8[%swap3A_564, %swap3A_565] {strides = array<i32>} : memref<400x64xf32, #tpu.memory_space<vmem>>, vector<1x16xf32>,
        %swap3A_567 = vector.shape_cast %swap3A_566 : vector<1x16xf32> to vector<16xf32>
        %swap3A_568 = vector.shape_cast %get3A_179 : vector<16xf32> to vector<1x16xf32>
        tpu.vector_store %arg8[%swap3A_564, %swap3A_565], %swap3A_568 {add = true, strides = array<i32>} : memref<400x64xf32, #tpu.memory_space<vmem>>, vector<1x16xf32>,
        %add3A_569 = arith.constant 0 : i32
        %add3A_570 = arith.addi %add3A_569, %scan3A_547 : i32
        %swap3A_571 = arith.index_cast %add3A_570 : i32 to index
        %swap3A_572 = arith.constant 48 : index
        %swap3A_573 = tpu.vector_load %arg8[%swap3A_571, %swap3A_572] {strides = array<i32>} : memref<400x64xf32, #tpu.memory_space<vmem>>, vector<1x16xf32>,
        %swap3A_574 = vector.shape_cast %swap3A_573 : vector<1x16xf32> to vector<16xf32>
        %swap3A_575 = vector.shape_cast %get3A_183 : vector<16xf32> to vector<1x16xf32>
        tpu.vector_store %arg8[%swap3A_571, %swap3A_572], %swap3A_575 {add = true, strides = array<i32>} : memref<400x64xf32, #tpu.memory_space<vmem>>, vector<1x16xf32>,
      }
      %scan3A_189 = arith.constant 200 : i32
      %mul3A_190 = arith.constant 2 : i32
      %mul3A_191 = arith.muli %mul3A_56, %mul3A_190 : i32
      %add3A_192 = arith.constant 1 : i32
      %add3A_193 = arith.addi %mul3A_191, %add3A_192 : i32
      %get3A_194 = arith.index_cast %add3A_193 : i32 to index
      %get3A_195 = arith.constant 0 : index
      %get3A_196 = tpu.vector_load %arg7[%get3A_194, %get3A_195] {strides = array<i32>} : memref<128x64xf32, #tpu.memory_space<vmem>>, vector<1x16xf32>,
      %get3A_197 = vector.shape_cast %get3A_196 : vector<1x16xf32> to vector<16xf32>
      %get3A_198 = arith.index_cast %add3A_193 : i32 to index
      %get3A_199 = arith.constant 16 : index
      %get3A_200 = tpu.vector_load %arg7[%get3A_198, %get3A_199] {strides = array<i32>} : memref<128x64xf32, #tpu.memory_space<vmem>>, vector<1x16xf32>,
      %get3A_201 = vector.shape_cast %get3A_200 : vector<1x16xf32> to vector<16xf32>
      %get3A_202 = arith.index_cast %add3A_193 : i32 to index
      %get3A_203 = arith.constant 32 : index
      %get3A_204 = tpu.vector_load %arg7[%get3A_202, %get3A_203] {strides = array<i32>} : memref<128x64xf32, #tpu.memory_space<vmem>>, vector<1x16xf32>,
      %get3A_205 = vector.shape_cast %get3A_204 : vector<1x16xf32> to vector<16xf32>
      %get3A_206 = arith.index_cast %add3A_193 : i32 to index
      %get3A_207 = arith.constant 48 : index
      %get3A_208 = tpu.vector_load %arg7[%get3A_206, %get3A_207] {strides = array<i32>} : memref<128x64xf32, #tpu.memory_space<vmem>>, vector<1x16xf32>,
      %get3A_209 = vector.shape_cast %get3A_208 : vector<1x16xf32> to vector<16xf32>
      %scan3A_210 = arith.constant 0 : i32
      %scan3A_211 = arith.constant 0 : i32
      %scan3A_212 = arith.constant 200 : i32
      %scan3A_213 = arith.addi %scan3A_211, %scan3A_212 : i32
      %scan3A_214 = arith.constant 8 : i32
      scf.for %scan3A_338 = %scan3A_211 to %scan3A_213 step %scan3A_214  : i32 {
        %add3A_339 = arith.constant 200 : i32
        %add3A_340 = arith.addi %add3A_339, %scan3A_338 : i32
        %swap3A = arith.index_cast %add3A_340 : i32 to index
        %swap3A_341 = arith.constant 0 : index
        %swap3A_342 = tpu.vector_load %arg8[%swap3A, %swap3A_341] {strides = array<i32>} : memref<400x64xf32, #tpu.memory_space<vmem>>, vector<1x16xf32>,
        %swap3A_343 = vector.shape_cast %swap3A_342 : vector<1x16xf32> to vector<16xf32>
        %swap3A_344 = vector.shape_cast %get3A_197 : vector<16xf32> to vector<1x16xf32>
        tpu.vector_store %arg8[%swap3A, %swap3A_341], %swap3A_344 {add = true, strides = array<i32>} : memref<400x64xf32, #tpu.memory_space<vmem>>, vector<1x16xf32>,
        %add3A_345 = arith.constant 200 : i32
        %add3A_346 = arith.addi %add3A_345, %scan3A_338 : i32
        %swap3A_347 = arith.index_cast %add3A_346 : i32 to index
        %swap3A_348 = arith.constant 16 : index
        %swap3A_349 = tpu.vector_load %arg8[%swap3A_347, %swap3A_348] {strides = array<i32>} : memref<400x64xf32, #tpu.memory_space<vmem>>, vector<1x16xf32>,
        %swap3A_350 = vector.shape_cast %swap3A_349 : vector<1x16xf32> to vector<16xf32>
        %swap3A_351 = vector.shape_cast %get3A_201 : vector<16xf32> to vector<1x16xf32>
        tpu.vector_store %arg8[%swap3A_347, %swap3A_348], %swap3A_351 {add = true, strides = array<i32>} : memref<400x64xf32, #tpu.memory_space<vmem>>, vector<1x16xf32>,
        %add3A_352 = arith.constant 200 : i32
        %add3A_353 = arith.addi %add3A_352, %scan3A_338 : i32
        %swap3A_354 = arith.index_cast %add3A_353 : i32 to index
        %swap3A_355 = arith.constant 32 : index
        %swap3A_356 = tpu.vector_load %arg8[%swap3A_354, %swap3A_355] {strides = array<i32>} : memref<400x64xf32, #tpu.memory_space<vmem>>, vector<1x16xf32>,
        %swap3A_357 = vector.shape_cast %swap3A_356 : vector<1x16xf32> to vector<16xf32>
        %swap3A_358 = vector.shape_cast %get3A_205 : vector<16xf32> to vector<1x16xf32>
        tpu.vector_store %arg8[%swap3A_354, %swap3A_355], %swap3A_358 {add = true, strides = array<i32>} : memref<400x64xf32, #tpu.memory_space<vmem>>, vector<1x16xf32>,
        %add3A_359 = arith.constant 200 : i32
        %add3A_360 = arith.addi %add3A_359, %scan3A_338 : i32
        %swap3A_361 = arith.index_cast %add3A_360 : i32 to index
        %swap3A_362 = arith.constant 48 : index
        %swap3A_363 = tpu.vector_load %arg8[%swap3A_361, %swap3A_362] {strides = array<i32>} : memref<400x64xf32, #tpu.memory_space<vmem>>, vector<1x16xf32>,
        %swap3A_364 = vector.shape_cast %swap3A_363 : vector<1x16xf32> to vector<16xf32>
        %swap3A_365 = vector.shape_cast %get3A_209 : vector<16xf32> to vector<1x16xf32>
        tpu.vector_store %arg8[%swap3A_361, %swap3A_362], %swap3A_365 {add = true, strides = array<i32>} : memref<400x64xf32, #tpu.memory_space<vmem>>, vector<1x16xf32>,
        %scan3A_366 = arith.constant 1 : i32
        %scan3A_367 = arith.addi %scan3A_338, %scan3A_366 : i32
        %add3A_368 = arith.constant 200 : i32
        %add3A_369 = arith.addi %add3A_368, %scan3A_367 : i32
        %swap3A_370 = arith.index_cast %add3A_369 : i32 to index
        %swap3A_371 = arith.constant 0 : index
        %swap3A_372 = tpu.vector_load %arg8[%swap3A_370, %swap3A_371] {strides = array<i32>} : memref<400x64xf32, #tpu.memory_space<vmem>>, vector<1x16xf32>,
        %swap3A_373 = vector.shape_cast %swap3A_372 : vector<1x16xf32> to vector<16xf32>
        %swap3A_374 = vector.shape_cast %get3A_197 : vector<16xf32> to vector<1x16xf32>
        tpu.vector_store %arg8[%swap3A_370, %swap3A_371], %swap3A_374 {add = true, strides = array<i32>} : memref<400x64xf32, #tpu.memory_space<vmem>>, vector<1x16xf32>,
        %add3A_375 = arith.constant 200 : i32
        %add3A_376 = arith.addi %add3A_375, %scan3A_367 : i32
        %swap3A_377 = arith.index_cast %add3A_376 : i32 to index
        %swap3A_378 = arith.constant 16 : index
        %swap3A_379 = tpu.vector_load %arg8[%swap3A_377, %swap3A_378] {strides = array<i32>} : memref<400x64xf32, #tpu.memory_space<vmem>>, vector<1x16xf32>,
        %swap3A_380 = vector.shape_cast %swap3A_379 : vector<1x16xf32> to vector<16xf32>
        %swap3A_381 = vector.shape_cast %get3A_201 : vector<16xf32> to vector<1x16xf32>
        tpu.vector_store %arg8[%swap3A_377, %swap3A_378], %swap3A_381 {add = true, strides = array<i32>} : memref<400x64xf32, #tpu.memory_space<vmem>>, vector<1x16xf32>,
        %add3A_382 = arith.constant 200 : i32
        %add3A_383 = arith.addi %add3A_382, %scan3A_367 : i32
        %swap3A_384 = arith.index_cast %add3A_383 : i32 to index
        %swap3A_385 = arith.constant 32 : index
        %swap3A_386 = tpu.vector_load %arg8[%swap3A_384, %swap3A_385] {strides = array<i32>} : memref<400x64xf32, #tpu.memory_space<vmem>>, vector<1x16xf32>,
        %swap3A_387 = vector.shape_cast %swap3A_386 : vector<1x16xf32> to vector<16xf32>
        %swap3A_388 = vector.shape_cast %get3A_205 : vector<16xf32> to vector<1x16xf32>
        tpu.vector_store %arg8[%swap3A_384, %swap3A_385], %swap3A_388 {add = true, strides = array<i32>} : memref<400x64xf32, #tpu.memory_space<vmem>>, vector<1x16xf32>,
        %add3A_389 = arith.constant 200 : i32
        %add3A_390 = arith.addi %add3A_389, %scan3A_367 : i32
        %swap3A_391 = arith.index_cast %add3A_390 : i32 to index
        %swap3A_392 = arith.constant 48 : index
        %swap3A_393 = tpu.vector_load %arg8[%swap3A_391, %swap3A_392] {strides = array<i32>} : memref<400x64xf32, #tpu.memory_space<vmem>>, vector<1x16xf32>,
        %swap3A_394 = vector.shape_cast %swap3A_393 : vector<1x16xf32> to vector<16xf32>
        %swap3A_395 = vector.shape_cast %get3A_209 : vector<16xf32> to vector<1x16xf32>
        tpu.vector_store %arg8[%swap3A_391, %swap3A_392], %swap3A_395 {add = true, strides = array<i32>} : memref<400x64xf32, #tpu.memory_space<vmem>>, vector<1x16xf32>,
        %scan3A_396 = arith.constant 2 : i32
        %scan3A_397 = arith.addi %scan3A_338, %scan3A_396 : i32
        %add3A_398 = arith.constant 200 : i32
        %add3A_399 = arith.addi %add3A_398, %scan3A_397 : i32
        %swap3A_400 = arith.index_cast %add3A_399 : i32 to index
        %swap3A_401 = arith.constant 0 : index
        %swap3A_402 = tpu.vector_load %arg8[%swap3A_400, %swap3A_401] {strides = array<i32>} : memref<400x64xf32, #tpu.memory_space<vmem>>, vector<1x16xf32>,
        %swap3A_403 = vector.shape_cast %swap3A_402 : vector<1x16xf32> to vector<16xf32>
        %swap3A_404 = vector.shape_cast %get3A_197 : vector<16xf32> to vector<1x16xf32>
        tpu.vector_store %arg8[%swap3A_400, %swap3A_401], %swap3A_404 {add = true, strides = array<i32>} : memref<400x64xf32, #tpu.memory_space<vmem>>, vector<1x16xf32>,
        %add3A_405 = arith.constant 200 : i32
        %add3A_406 = arith.addi %add3A_405, %scan3A_397 : i32
        %swap3A_407 = arith.index_cast %add3A_406 : i32 to index
        %swap3A_408 = arith.constant 16 : index
        %swap3A_409 = tpu.vector_load %arg8[%swap3A_407, %swap3A_408] {strides = array<i32>} : memref<400x64xf32, #tpu.memory_space<vmem>>, vector<1x16xf32>,
        %swap3A_410 = vector.shape_cast %swap3A_409 : vector<1x16xf32> to vector<16xf32>
        %swap3A_411 = vector.shape_cast %get3A_201 : vector<16xf32> to vector<1x16xf32>
        tpu.vector_store %arg8[%swap3A_407, %swap3A_408], %swap3A_411 {add = true, strides = array<i32>} : memref<400x64xf32, #tpu.memory_space<vmem>>, vector<1x16xf32>,
        %add3A_412 = arith.constant 200 : i32
        %add3A_413 = arith.addi %add3A_412, %scan3A_397 : i32
        %swap3A_414 = arith.index_cast %add3A_413 : i32 to index
        %swap3A_415 = arith.constant 32 : index
        %swap3A_416 = tpu.vector_load %arg8[%swap3A_414, %swap3A_415] {strides = array<i32>} : memref<400x64xf32, #tpu.memory_space<vmem>>, vector<1x16xf32>,
        %swap3A_417 = vector.shape_cast %swap3A_416 : vector<1x16xf32> to vector<16xf32>
        %swap3A_418 = vector.shape_cast %get3A_205 : vector<16xf32> to vector<1x16xf32>
        tpu.vector_store %arg8[%swap3A_414, %swap3A_415], %swap3A_418 {add = true, strides = array<i32>} : memref<400x64xf32, #tpu.memory_space<vmem>>, vector<1x16xf32>,
        %add3A_419 = arith.constant 200 : i32
        %add3A_420 = arith.addi %add3A_419, %scan3A_397 : i32
        %swap3A_421 = arith.index_cast %add3A_420 : i32 to index
        %swap3A_422 = arith.constant 48 : index
        %swap3A_423 = tpu.vector_load %arg8[%swap3A_421, %swap3A_422] {strides = array<i32>} : memref<400x64xf32, #tpu.memory_space<vmem>>, vector<1x16xf32>,
        %swap3A_424 = vector.shape_cast %swap3A_423 : vector<1x16xf32> to vector<16xf32>
        %swap3A_425 = vector.shape_cast %get3A_209 : vector<16xf32> to vector<1x16xf32>
        tpu.vector_store %arg8[%swap3A_421, %swap3A_422], %swap3A_425 {add = true, strides = array<i32>} : memref<400x64xf32, #tpu.memory_space<vmem>>, vector<1x16xf32>,
        %scan3A_426 = arith.constant 3 : i32
        %scan3A_427 = arith.addi %scan3A_338, %scan3A_426 : i32
        %add3A_428 = arith.constant 200 : i32
        %add3A_429 = arith.addi %add3A_428, %scan3A_427 : i32
        %swap3A_430 = arith.index_cast %add3A_429 : i32 to index
        %swap3A_431 = arith.constant 0 : index
        %swap3A_432 = tpu.vector_load %arg8[%swap3A_430, %swap3A_431] {strides = array<i32>} : memref<400x64xf32, #tpu.memory_space<vmem>>, vector<1x16xf32>,
        %swap3A_433 = vector.shape_cast %swap3A_432 : vector<1x16xf32> to vector<16xf32>
        %swap3A_434 = vector.shape_cast %get3A_197 : vector<16xf32> to vector<1x16xf32>
        tpu.vector_store %arg8[%swap3A_430, %swap3A_431], %swap3A_434 {add = true, strides = array<i32>} : memref<400x64xf32, #tpu.memory_space<vmem>>, vector<1x16xf32>,
        %add3A_435 = arith.constant 200 : i32
        %add3A_436 = arith.addi %add3A_435, %scan3A_427 : i32
        %swap3A_437 = arith.index_cast %add3A_436 : i32 to index
        %swap3A_438 = arith.constant 16 : index
        %swap3A_439 = tpu.vector_load %arg8[%swap3A_437, %swap3A_438] {strides = array<i32>} : memref<400x64xf32, #tpu.memory_space<vmem>>, vector<1x16xf32>,
        %swap3A_440 = vector.shape_cast %swap3A_439 : vector<1x16xf32> to vector<16xf32>
        %swap3A_441 = vector.shape_cast %get3A_201 : vector<16xf32> to vector<1x16xf32>
        tpu.vector_store %arg8[%swap3A_437, %swap3A_438], %swap3A_441 {add = true, strides = array<i32>} : memref<400x64xf32, #tpu.memory_space<vmem>>, vector<1x16xf32>,
        %add3A_442 = arith.constant 200 : i32
        %add3A_443 = arith.addi %add3A_442, %scan3A_427 : i32
        %swap3A_444 = arith.index_cast %add3A_443 : i32 to index
        %swap3A_445 = arith.constant 32 : index
        %swap3A_446 = tpu.vector_load %arg8[%swap3A_444, %swap3A_445] {strides = array<i32>} : memref<400x64xf32, #tpu.memory_space<vmem>>, vector<1x16xf32>,
        %swap3A_447 = vector.shape_cast %swap3A_446 : vector<1x16xf32> to vector<16xf32>
        %swap3A_448 = vector.shape_cast %get3A_205 : vector<16xf32> to vector<1x16xf32>
        tpu.vector_store %arg8[%swap3A_444, %swap3A_445], %swap3A_448 {add = true, strides = array<i32>} : memref<400x64xf32, #tpu.memory_space<vmem>>, vector<1x16xf32>,
        %add3A_449 = arith.constant 200 : i32
        %add3A_450 = arith.addi %add3A_449, %scan3A_427 : i32
        %swap3A_451 = arith.index_cast %add3A_450 : i32 to index
        %swap3A_452 = arith.constant 48 : index
        %swap3A_453 = tpu.vector_load %arg8[%swap3A_451, %swap3A_452] {strides = array<i32>} : memref<400x64xf32, #tpu.memory_space<vmem>>, vector<1x16xf32>,
        %swap3A_454 = vector.shape_cast %swap3A_453 : vector<1x16xf32> to vector<16xf32>
        %swap3A_455 = vector.shape_cast %get3A_209 : vector<16xf32> to vector<1x16xf32>
        tpu.vector_store %arg8[%swap3A_451, %swap3A_452], %swap3A_455 {add = true, strides = array<i32>} : memref<400x64xf32, #tpu.memory_space<vmem>>, vector<1x16xf32>,
        %scan3A_456 = arith.constant 4 : i32
        %scan3A_457 = arith.addi %scan3A_338, %scan3A_456 : i32
        %add3A_458 = arith.constant 200 : i32
        %add3A_459 = arith.addi %add3A_458, %scan3A_457 : i32
        %swap3A_460 = arith.index_cast %add3A_459 : i32 to index
        %swap3A_461 = arith.constant 0 : index
        %swap3A_462 = tpu.vector_load %arg8[%swap3A_460, %swap3A_461] {strides = array<i32>} : memref<400x64xf32, #tpu.memory_space<vmem>>, vector<1x16xf32>,
        %swap3A_463 = vector.shape_cast %swap3A_462 : vector<1x16xf32> to vector<16xf32>
        %swap3A_464 = vector.shape_cast %get3A_197 : vector<16xf32> to vector<1x16xf32>
        tpu.vector_store %arg8[%swap3A_460, %swap3A_461], %swap3A_464 {add = true, strides = array<i32>} : memref<400x64xf32, #tpu.memory_space<vmem>>, vector<1x16xf32>,
        %add3A_465 = arith.constant 200 : i32
        %add3A_466 = arith.addi %add3A_465, %scan3A_457 : i32
        %swap3A_467 = arith.index_cast %add3A_466 : i32 to index
        %swap3A_468 = arith.constant 16 : index
        %swap3A_469 = tpu.vector_load %arg8[%swap3A_467, %swap3A_468] {strides = array<i32>} : memref<400x64xf32, #tpu.memory_space<vmem>>, vector<1x16xf32>,
        %swap3A_470 = vector.shape_cast %swap3A_469 : vector<1x16xf32> to vector<16xf32>
        %swap3A_471 = vector.shape_cast %get3A_201 : vector<16xf32> to vector<1x16xf32>
        tpu.vector_store %arg8[%swap3A_467, %swap3A_468], %swap3A_471 {add = true, strides = array<i32>} : memref<400x64xf32, #tpu.memory_space<vmem>>, vector<1x16xf32>,
        %add3A_472 = arith.constant 200 : i32
        %add3A_473 = arith.addi %add3A_472, %scan3A_457 : i32
        %swap3A_474 = arith.index_cast %add3A_473 : i32 to index
        %swap3A_475 = arith.constant 32 : index
        %swap3A_476 = tpu.vector_load %arg8[%swap3A_474, %swap3A_475] {strides = array<i32>} : memref<400x64xf32, #tpu.memory_space<vmem>>, vector<1x16xf32>,
        %swap3A_477 = vector.shape_cast %swap3A_476 : vector<1x16xf32> to vector<16xf32>
        %swap3A_478 = vector.shape_cast %get3A_205 : vector<16xf32> to vector<1x16xf32>
        tpu.vector_store %arg8[%swap3A_474, %swap3A_475], %swap3A_478 {add = true, strides = array<i32>} : memref<400x64xf32, #tpu.memory_space<vmem>>, vector<1x16xf32>,
        %add3A_479 = arith.constant 200 : i32
        %add3A_480 = arith.addi %add3A_479, %scan3A_457 : i32
        %swap3A_481 = arith.index_cast %add3A_480 : i32 to index
        %swap3A_482 = arith.constant 48 : index
        %swap3A_483 = tpu.vector_load %arg8[%swap3A_481, %swap3A_482] {strides = array<i32>} : memref<400x64xf32, #tpu.memory_space<vmem>>, vector<1x16xf32>,
        %swap3A_484 = vector.shape_cast %swap3A_483 : vector<1x16xf32> to vector<16xf32>
        %swap3A_485 = vector.shape_cast %get3A_209 : vector<16xf32> to vector<1x16xf32>
        tpu.vector_store %arg8[%swap3A_481, %swap3A_482], %swap3A_485 {add = true, strides = array<i32>} : memref<400x64xf32, #tpu.memory_space<vmem>>, vector<1x16xf32>,
        %scan3A_486 = arith.constant 5 : i32
        %scan3A_487 = arith.addi %scan3A_338, %scan3A_486 : i32
        %add3A_488 = arith.constant 200 : i32
        %add3A_489 = arith.addi %add3A_488, %scan3A_487 : i32
        %swap3A_490 = arith.index_cast %add3A_489 : i32 to index
        %swap3A_491 = arith.constant 0 : index
        %swap3A_492 = tpu.vector_load %arg8[%swap3A_490, %swap3A_491] {strides = array<i32>} : memref<400x64xf32, #tpu.memory_space<vmem>>, vector<1x16xf32>,
        %swap3A_493 = vector.shape_cast %swap3A_492 : vector<1x16xf32> to vector<16xf32>
        %swap3A_494 = vector.shape_cast %get3A_197 : vector<16xf32> to vector<1x16xf32>
        tpu.vector_store %arg8[%swap3A_490, %swap3A_491], %swap3A_494 {add = true, strides = array<i32>} : memref<400x64xf32, #tpu.memory_space<vmem>>, vector<1x16xf32>,
        %add3A_495 = arith.constant 200 : i32
        %add3A_496 = arith.addi %add3A_495, %scan3A_487 : i32
        %swap3A_497 = arith.index_cast %add3A_496 : i32 to index
        %swap3A_498 = arith.constant 16 : index
        %swap3A_499 = tpu.vector_load %arg8[%swap3A_497, %swap3A_498] {strides = array<i32>} : memref<400x64xf32, #tpu.memory_space<vmem>>, vector<1x16xf32>,
        %swap3A_500 = vector.shape_cast %swap3A_499 : vector<1x16xf32> to vector<16xf32>
        %swap3A_501 = vector.shape_cast %get3A_201 : vector<16xf32> to vector<1x16xf32>
        tpu.vector_store %arg8[%swap3A_497, %swap3A_498], %swap3A_501 {add = true, strides = array<i32>} : memref<400x64xf32, #tpu.memory_space<vmem>>, vector<1x16xf32>,
        %add3A_502 = arith.constant 200 : i32
        %add3A_503 = arith.addi %add3A_502, %scan3A_487 : i32
        %swap3A_504 = arith.index_cast %add3A_503 : i32 to index
        %swap3A_505 = arith.constant 32 : index
        %swap3A_506 = tpu.vector_load %arg8[%swap3A_504, %swap3A_505] {strides = array<i32>} : memref<400x64xf32, #tpu.memory_space<vmem>>, vector<1x16xf32>,
        %swap3A_507 = vector.shape_cast %swap3A_506 : vector<1x16xf32> to vector<16xf32>
        %swap3A_508 = vector.shape_cast %get3A_205 : vector<16xf32> to vector<1x16xf32>
        tpu.vector_store %arg8[%swap3A_504, %swap3A_505], %swap3A_508 {add = true, strides = array<i32>} : memref<400x64xf32, #tpu.memory_space<vmem>>, vector<1x16xf32>,
        %add3A_509 = arith.constant 200 : i32
        %add3A_510 = arith.addi %add3A_509, %scan3A_487 : i32
        %swap3A_511 = arith.index_cast %add3A_510 : i32 to index
        %swap3A_512 = arith.constant 48 : index
        %swap3A_513 = tpu.vector_load %arg8[%swap3A_511, %swap3A_512] {strides = array<i32>} : memref<400x64xf32, #tpu.memory_space<vmem>>, vector<1x16xf32>,
        %swap3A_514 = vector.shape_cast %swap3A_513 : vector<1x16xf32> to vector<16xf32>
        %swap3A_515 = vector.shape_cast %get3A_209 : vector<16xf32> to vector<1x16xf32>
        tpu.vector_store %arg8[%swap3A_511, %swap3A_512], %swap3A_515 {add = true, strides = array<i32>} : memref<400x64xf32, #tpu.memory_space<vmem>>, vector<1x16xf32>,
        %scan3A_516 = arith.constant 6 : i32
        %scan3A_517 = arith.addi %scan3A_338, %scan3A_516 : i32
        %add3A_518 = arith.constant 200 : i32
        %add3A_519 = arith.addi %add3A_518, %scan3A_517 : i32
        %swap3A_520 = arith.index_cast %add3A_519 : i32 to index
        %swap3A_521 = arith.constant 0 : index
        %swap3A_522 = tpu.vector_load %arg8[%swap3A_520, %swap3A_521] {strides = array<i32>} : memref<400x64xf32, #tpu.memory_space<vmem>>, vector<1x16xf32>,
        %swap3A_523 = vector.shape_cast %swap3A_522 : vector<1x16xf32> to vector<16xf32>
        %swap3A_524 = vector.shape_cast %get3A_197 : vector<16xf32> to vector<1x16xf32>
        tpu.vector_store %arg8[%swap3A_520, %swap3A_521], %swap3A_524 {add = true, strides = array<i32>} : memref<400x64xf32, #tpu.memory_space<vmem>>, vector<1x16xf32>,
        %add3A_525 = arith.constant 200 : i32
        %add3A_526 = arith.addi %add3A_525, %scan3A_517 : i32
        %swap3A_527 = arith.index_cast %add3A_526 : i32 to index
        %swap3A_528 = arith.constant 16 : index
        %swap3A_529 = tpu.vector_load %arg8[%swap3A_527, %swap3A_528] {strides = array<i32>} : memref<400x64xf32, #tpu.memory_space<vmem>>, vector<1x16xf32>,
        %swap3A_530 = vector.shape_cast %swap3A_529 : vector<1x16xf32> to vector<16xf32>
        %swap3A_531 = vector.shape_cast %get3A_201 : vector<16xf32> to vector<1x16xf32>
        tpu.vector_store %arg8[%swap3A_527, %swap3A_528], %swap3A_531 {add = true, strides = array<i32>} : memref<400x64xf32, #tpu.memory_space<vmem>>, vector<1x16xf32>,
        %add3A_532 = arith.constant 200 : i32
        %add3A_533 = arith.addi %add3A_532, %scan3A_517 : i32
        %swap3A_534 = arith.index_cast %add3A_533 : i32 to index
        %swap3A_535 = arith.constant 32 : index
        %swap3A_536 = tpu.vector_load %arg8[%swap3A_534, %swap3A_535] {strides = array<i32>} : memref<400x64xf32, #tpu.memory_space<vmem>>, vector<1x16xf32>,
        %swap3A_537 = vector.shape_cast %swap3A_536 : vector<1x16xf32> to vector<16xf32>
        %swap3A_538 = vector.shape_cast %get3A_205 : vector<16xf32> to vector<1x16xf32>
        tpu.vector_store %arg8[%swap3A_534, %swap3A_535], %swap3A_538 {add = true, strides = array<i32>} : memref<400x64xf32, #tpu.memory_space<vmem>>, vector<1x16xf32>,
        %add3A_539 = arith.constant 200 : i32
        %add3A_540 = arith.addi %add3A_539, %scan3A_517 : i32
        %swap3A_541 = arith.index_cast %add3A_540 : i32 to index
        %swap3A_542 = arith.constant 48 : index
        %swap3A_543 = tpu.vector_load %arg8[%swap3A_541, %swap3A_542] {strides = array<i32>} : memref<400x64xf32, #tpu.memory_space<vmem>>, vector<1x16xf32>,
        %swap3A_544 = vector.shape_cast %swap3A_543 : vector<1x16xf32> to vector<16xf32>
        %swap3A_545 = vector.shape_cast %get3A_209 : vector<16xf32> to vector<1x16xf32>
        tpu.vector_store %arg8[%swap3A_541, %swap3A_542], %swap3A_545 {add = true, strides = array<i32>} : memref<400x64xf32, #tpu.memory_space<vmem>>, vector<1x16xf32>,
        %scan3A_546 = arith.constant 7 : i32
        %scan3A_547 = arith.addi %scan3A_338, %scan3A_546 : i32
        %add3A_548 = arith.constant 200 : i32
        %add3A_549 = arith.addi %add3A_548, %scan3A_547 : i32
        %swap3A_550 = arith.index_cast %add3A_549 : i32 to index
        %swap3A_551 = arith.constant 0 : index
        %swap3A_552 = tpu.vector_load %arg8[%swap3A_550, %swap3A_551] {strides = array<i32>} : memref<400x64xf32, #tpu.memory_space<vmem>>, vector<1x16xf32>,
        %swap3A_553 = vector.shape_cast %swap3A_552 : vector<1x16xf32> to vector<16xf32>
        %swap3A_554 = vector.shape_cast %get3A_197 : vector<16xf32> to vector<1x16xf32>
        tpu.vector_store %arg8[%swap3A_550, %swap3A_551], %swap3A_554 {add = true, strides = array<i32>} : memref<400x64xf32, #tpu.memory_space<vmem>>, vector<1x16xf32>,
        %add3A_555 = arith.constant 200 : i32
        %add3A_556 = arith.addi %add3A_555, %scan3A_547 : i32
        %swap3A_557 = arith.index_cast %add3A_556 : i32 to index
        %swap3A_558 = arith.constant 16 : index
        %swap3A_559 = tpu.vector_load %arg8[%swap3A_557, %swap3A_558] {strides = array<i32>} : memref<400x64xf32, #tpu.memory_space<vmem>>, vector<1x16xf32>,
        %swap3A_560 = vector.shape_cast %swap3A_559 : vector<1x16xf32> to vector<16xf32>
        %swap3A_561 = vector.shape_cast %get3A_201 : vector<16xf32> to vector<1x16xf32>
        tpu.vector_store %arg8[%swap3A_557, %swap3A_558], %swap3A_561 {add = true, strides = array<i32>} : memref<400x64xf32, #tpu.memory_space<vmem>>, vector<1x16xf32>,
        %add3A_562 = arith.constant 200 : i32
        %add3A_563 = arith.addi %add3A_562, %scan3A_547 : i32
        %swap3A_564 = arith.index_cast %add3A_563 : i32 to index
        %swap3A_565 = arith.constant 32 : index
        %swap3A_566 = tpu.vector_load %arg8[%swap3A_564, %swap3A_565] {strides = array<i32>} : memref<400x64xf32, #tpu.memory_space<vmem>>, vector<1x16xf32>,
        %swap3A_567 = vector.shape_cast %swap3A_566 : vector<1x16xf32> to vector<16xf32>
        %swap3A_568 = vector.shape_cast %get3A_205 : vector<16xf32> to vector<1x16xf32>
        tpu.vector_store %arg8[%swap3A_564, %swap3A_565], %swap3A_568 {add = true, strides = array<i32>} : memref<400x64xf32, #tpu.memory_space<vmem>>, vector<1x16xf32>,
        %add3A_569 = arith.constant 200 : i32
        %add3A_570 = arith.addi %add3A_569, %scan3A_547 : i32
        %swap3A_571 = arith.index_cast %add3A_570 : i32 to index
        %swap3A_572 = arith.constant 48 : index
        %swap3A_573 = tpu.vector_load %arg8[%swap3A_571, %swap3A_572] {strides = array<i32>} : memref<400x64xf32, #tpu.memory_space<vmem>>, vector<1x16xf32>,
        %swap3A_574 = vector.shape_cast %swap3A_573 : vector<1x16xf32> to vector<16xf32>
        %swap3A_575 = vector.shape_cast %get3A_209 : vector<16xf32> to vector<1x16xf32>
        tpu.vector_store %arg8[%swap3A_571, %swap3A_572], %swap3A_575 {add = true, strides = array<i32>} : memref<400x64xf32, #tpu.memory_space<vmem>>, vector<1x16xf32>,
      }
      %scan3A_215 = arith.constant 200 : i32
      %mul3A_216 = arith.constant 400 : i32
      %mul3A_217 = arith.muli %mul3A_56, %mul3A_216 : i32
      %add3A_218 = arith.addi %mul3A_2, %mul3A_217 : i32
      %dma_start3A_219 = arith.constant 0 : i32
      %dma_start3A_220 = tpu.memref_slice %arg5[%add3A_218, %dma_start3A_219] : memref<819200x64xf32, #tpu.memory_space<hbm>> -> memref<400x64xf32, #tpu.memory_space<hbm>>
      %dma_start3A_221 = arith.constant 0 : i32
      %dma_start3A_222 = tpu.memref_slice %arg5[%add3A_218, %dma_start3A_221] : memref<819200x64xf32, #tpu.memory_space<hbm>> -> memref<400x64xf32, #tpu.memory_space<hbm>>
      tpu.enqueue_dma source(%arg8 : memref<400x64xf32, #tpu.memory_space<vmem>>) target(%dma_start3A_222 : memref<400x64xf32, #tpu.memory_space<hbm>>) target_semaphore(%arg12 : memref<!tpu.dma_semaphore, #tpu.memory_space<semaphore_mem>>)
      %lt3A = arith.constant 31 : i32
      %lt3A_223 = arith.cmpi slt, %scan3A_54, %lt3A : i32
      %convert_element_type3A_224 = arith.extui %lt3A_223 : i1 to i32
      %cond3A_225 = arith.constant 0 : i32
      %cond3A_226 = arith.cmpi ne, %convert_element_type3A_224, %cond3A_225 : i32
      scf.if %cond3A_226 {
        %dma_wait3A_338 = arith.constant 0 : i32
        %dma_wait3A_339 = tpu.memref_slice %arg5[%mul3A_2, %dma_wait3A_338] : memref<819200x64xf32, #tpu.memory_space<hbm>> -> memref<400x64xf32, #tpu.memory_space<hbm>>
        %dma_wait3A_340 = arith.constant 0 : i32
        %dma_wait3A_341 = tpu.memref_slice %arg5[%mul3A_2, %dma_wait3A_340] : memref<819200x64xf32, #tpu.memory_space<hbm>> -> memref<400x64xf32, #tpu.memory_space<hbm>>
        tpu.wait_dma2 semaphore(%arg12 : memref<!tpu.dma_semaphore, #tpu.memory_space<semaphore_mem>>) src(%arg8 : memref<400x64xf32, #tpu.memory_space<vmem>>) dst(%dma_wait3A_341 : memref<400x64xf32, #tpu.memory_space<hbm>>)
        %add3A_342 = arith.constant 2 : i32
        %add3A_343 = arith.addi %mul3A_56, %add3A_342 : i32
        %mul3A_344 = arith.constant 4 : i32
        %mul3A_345 = arith.muli %add3A_343, %mul3A_344 : i32
        %add3A_346 = arith.constant 0 : i32
        %add3A_347 = arith.addi %mul3A_345, %add3A_346 : i32
        %dma_start3A_348 = arith.constant 0 : i32
        %dma_start3A_349 = arith.constant 0 : i32
        %dma_start3A_350 = tpu.memref_slice %arg8[%dma_start3A_348, %dma_start3A_349] : memref<400x64xf32, #tpu.memory_space<vmem>> -> memref<100x64xf32, #tpu.memory_space<vmem>>
        %dma_start3A_351 = arith.constant 0 : i32
        %dma_start3A_352 = tpu.memref_slice %arg6[%add3A_347, %dma_start3A_351] : memref<256x100xi32, #tpu.memory_space<vmem>> -> memref<1x100xi32, #tpu.memory_space<vmem>>
        %dma_start3A_353 = tpu.memref_squeeze %dma_start3A_352 : memref<1x100xi32, #tpu.memory_space<vmem>> -> memref<100xi32, #tpu.memory_space<vmem>>
        %dma_start3A_354 = arith.constant 0 : i32
        %dma_start3A_355 = arith.constant 0 : i32
        %dma_start3A_356 = tpu.memref_slice %arg4[%dma_start3A_354, %dma_start3A_355] : memref<1000000x64xf32, #tpu.memory_space<hbm>> -> memref<1000000x64xf32, #tpu.memory_space<hbm>>
        tpu.enqueue_indirect_dma source(%dma_start3A_356 : memref<1000000x64xf32, #tpu.memory_space<hbm>>) target(%dma_start3A_350 : memref<100x64xf32, #tpu.memory_space<vmem>>) offsets(%dma_start3A_353 : memref<100xi32, #tpu.memory_space<vmem>>) semaphore(%arg10 : memref<!tpu.dma_semaphore, #tpu.memory_space<semaphore_mem>>)
        %mul3A_357 = arith.constant 4 : i32
        %mul3A_358 = arith.muli %add3A_343, %mul3A_357 : i32
        %add3A_359 = arith.constant 1 : i32
        %add3A_360 = arith.addi %mul3A_358, %add3A_359 : i32
        %dma_start3A_361 = arith.constant 100 : i32
        %dma_start3A_362 = arith.constant 0 : i32
        %dma_start3A_363 = tpu.memref_slice %arg8[%dma_start3A_361, %dma_start3A_362] : memref<400x64xf32, #tpu.memory_space<vmem>> -> memref<100x64xf32, #tpu.memory_space<vmem>>
        %dma_start3A_364 = arith.constant 0 : i32
        %dma_start3A_365 = tpu.memref_slice %arg6[%add3A_360, %dma_start3A_364] : memref<256x100xi32, #tpu.memory_space<vmem>> -> memref<1x100xi32, #tpu.memory_space<vmem>>
        %dma_start3A_366 = tpu.memref_squeeze %dma_start3A_365 : memref<1x100xi32, #tpu.memory_space<vmem>> -> memref<100xi32, #tpu.memory_space<vmem>>
        %dma_start3A_367 = arith.constant 0 : i32
        %dma_start3A_368 = arith.constant 0 : i32
        %dma_start3A_369 = tpu.memref_slice %arg4[%dma_start3A_367, %dma_start3A_368] : memref<1000000x64xf32, #tpu.memory_space<hbm>> -> memref<1000000x64xf32, #tpu.memory_space<hbm>>
        tpu.enqueue_indirect_dma source(%dma_start3A_369 : memref<1000000x64xf32, #tpu.memory_space<hbm>>) target(%dma_start3A_363 : memref<100x64xf32, #tpu.memory_space<vmem>>) offsets(%dma_start3A_366 : memref<100xi32, #tpu.memory_space<vmem>>) semaphore(%arg10 : memref<!tpu.dma_semaphore, #tpu.memory_space<semaphore_mem>>)
        %mul3A_370 = arith.constant 4 : i32
        %mul3A_371 = arith.muli %add3A_343, %mul3A_370 : i32
        %add3A_372 = arith.constant 2 : i32
        %add3A_373 = arith.addi %mul3A_371, %add3A_372 : i32
        %dma_start3A_374 = arith.constant 200 : i32
        %dma_start3A_375 = arith.constant 0 : i32
        %dma_start3A_376 = tpu.memref_slice %arg8[%dma_start3A_374, %dma_start3A_375] : memref<400x64xf32, #tpu.memory_space<vmem>> -> memref<100x64xf32, #tpu.memory_space<vmem>>
        %dma_start3A_377 = arith.constant 0 : i32
        %dma_start3A_378 = tpu.memref_slice %arg6[%add3A_373, %dma_start3A_377] : memref<256x100xi32, #tpu.memory_space<vmem>> -> memref<1x100xi32, #tpu.memory_space<vmem>>
        %dma_start3A_379 = tpu.memref_squeeze %dma_start3A_378 : memref<1x100xi32, #tpu.memory_space<vmem>> -> memref<100xi32, #tpu.memory_space<vmem>>
        %dma_start3A_380 = arith.constant 0 : i32
        %dma_start3A_381 = arith.constant 0 : i32
        %dma_start3A_382 = tpu.memref_slice %arg4[%dma_start3A_380, %dma_start3A_381] : memref<1000000x64xf32, #tpu.memory_space<hbm>> -> memref<1000000x64xf32, #tpu.memory_space<hbm>>
        tpu.enqueue_indirect_dma source(%dma_start3A_382 : memref<1000000x64xf32, #tpu.memory_space<hbm>>) target(%dma_start3A_376 : memref<100x64xf32, #tpu.memory_space<vmem>>) offsets(%dma_start3A_379 : memref<100xi32, #tpu.memory_space<vmem>>) semaphore(%arg10 : memref<!tpu.dma_semaphore, #tpu.memory_space<semaphore_mem>>)
        %mul3A_383 = arith.constant 4 : i32
        %mul3A_384 = arith.muli %add3A_343, %mul3A_383 : i32
        %add3A_385 = arith.constant 3 : i32
        %add3A_386 = arith.addi %mul3A_384, %add3A_385 : i32
        %dma_start3A_387 = arith.constant 300 : i32
        %dma_start3A_388 = arith.constant 0 : i32
        %dma_start3A_389 = tpu.memref_slice %arg8[%dma_start3A_387, %dma_start3A_388] : memref<400x64xf32, #tpu.memory_space<vmem>> -> memref<100x64xf32, #tpu.memory_space<vmem>>
        %dma_start3A_390 = arith.constant 0 : i32
        %dma_start3A_391 = tpu.memref_slice %arg6[%add3A_386, %dma_start3A_390] : memref<256x100xi32, #tpu.memory_space<vmem>> -> memref<1x100xi32, #tpu.memory_space<vmem>>
        %dma_start3A_392 = tpu.memref_squeeze %dma_start3A_391 : memref<1x100xi32, #tpu.memory_space<vmem>> -> memref<100xi32, #tpu.memory_space<vmem>>
        %dma_start3A_393 = arith.constant 0 : i32
        %dma_start3A_394 = arith.constant 0 : i32
        %dma_start3A_395 = tpu.memref_slice %arg4[%dma_start3A_393, %dma_start3A_394] : memref<1000000x64xf32, #tpu.memory_space<hbm>> -> memref<1000000x64xf32, #tpu.memory_space<hbm>>
        tpu.enqueue_indirect_dma source(%dma_start3A_395 : memref<1000000x64xf32, #tpu.memory_space<hbm>>) target(%dma_start3A_389 : memref<100x64xf32, #tpu.memory_space<vmem>>) offsets(%dma_start3A_392 : memref<100xi32, #tpu.memory_space<vmem>>) semaphore(%arg10 : memref<!tpu.dma_semaphore, #tpu.memory_space<semaphore_mem>>)
      } else {
      }
      %mul3A_227 = arith.constant 4 : i32
      %mul3A_228 = arith.muli %add3A_58, %mul3A_227 : i32
      %add3A_229 = arith.constant 0 : i32
      %add3A_230 = arith.addi %mul3A_228, %add3A_229 : i32
      %dma_wait3A_231 = arith.constant 0 : i32
      %dma_wait3A_232 = arith.constant 0 : i32
      %dma_wait3A_233 = tpu.memref_slice %arg9[%dma_wait3A_231, %dma_wait3A_232] : memref<400x64xf32, #tpu.memory_space<vmem>> -> memref<100x64xf32, #tpu.memory_space<vmem>>
      %dma_wait3A_234 = arith.constant 0 : i32
      %dma_wait3A_235 = tpu.memref_slice %arg6[%add3A_230, %dma_wait3A_234] : memref<256x100xi32, #tpu.memory_space<vmem>> -> memref<1x100xi32, #tpu.memory_space<vmem>>
      %dma_wait3A_236 = tpu.memref_squeeze %dma_wait3A_235 : memref<1x100xi32, #tpu.memory_space<vmem>> -> memref<100xi32, #tpu.memory_space<vmem>>
      %dma_wait3A_237 = arith.constant 0 : i32
      %dma_wait3A_238 = arith.constant 0 : i32
      %dma_wait3A_239 = tpu.memref_slice %arg4[%dma_wait3A_237, %dma_wait3A_238] : memref<1000000x64xf32, #tpu.memory_space<hbm>> -> memref<1000000x64xf32, #tpu.memory_space<hbm>>
      tpu.wait_indirect_dma semaphore(%arg11 : memref<!tpu.dma_semaphore, #tpu.memory_space<semaphore_mem>>) src(%dma_wait3A_239 : memref<1000000x64xf32, #tpu.memory_space<hbm>>) dst(%dma_wait3A_233 : memref<100x64xf32, #tpu.memory_space<vmem>>)
      %mul3A_240 = arith.constant 4 : i32
      %mul3A_241 = arith.muli %add3A_58, %mul3A_240 : i32
      %add3A_242 = arith.constant 1 : i32
      %add3A_243 = arith.addi %mul3A_241, %add3A_242 : i32
      %dma_wait3A_244 = arith.constant 100 : i32
      %dma_wait3A_245 = arith.constant 0 : i32
      %dma_wait3A_246 = tpu.memref_slice %arg9[%dma_wait3A_244, %dma_wait3A_245] : memref<400x64xf32, #tpu.memory_space<vmem>> -> memref<100x64xf32, #tpu.memory_space<vmem>>
      %dma_wait3A_247 = arith.constant 0 : i32
      %dma_wait3A_248 = tpu.memref_slice %arg6[%add3A_243, %dma_wait3A_247] : memref<256x100xi32, #tpu.memory_space<vmem>> -> memref<1x100xi32, #tpu.memory_space<vmem>>
      %dma_wait3A_249 = tpu.memref_squeeze %dma_wait3A_248 : memref<1x100xi32, #tpu.memory_space<vmem>> -> memref<100xi32, #tpu.memory_space<vmem>>
      %dma_wait3A_250 = arith.constant 0 : i32
      %dma_wait3A_251 = arith.constant 0 : i32
      %dma_wait3A_252 = tpu.memref_slice %arg4[%dma_wait3A_250, %dma_wait3A_251] : memref<1000000x64xf32, #tpu.memory_space<hbm>> -> memref<1000000x64xf32, #tpu.memory_space<hbm>>
      tpu.wait_indirect_dma semaphore(%arg11 : memref<!tpu.dma_semaphore, #tpu.memory_space<semaphore_mem>>) src(%dma_wait3A_252 : memref<1000000x64xf32, #tpu.memory_space<hbm>>) dst(%dma_wait3A_246 : memref<100x64xf32, #tpu.memory_space<vmem>>)
      %mul3A_253 = arith.constant 4 : i32
      %mul3A_254 = arith.muli %add3A_58, %mul3A_253 : i32
      %add3A_255 = arith.constant 2 : i32
      %add3A_256 = arith.addi %mul3A_254, %add3A_255 : i32
      %dma_wait3A_257 = arith.constant 200 : i32
      %dma_wait3A_258 = arith.constant 0 : i32
      %dma_wait3A_259 = tpu.memref_slice %arg9[%dma_wait3A_257, %dma_wait3A_258] : memref<400x64xf32, #tpu.memory_space<vmem>> -> memref<100x64xf32, #tpu.memory_space<vmem>>
      %dma_wait3A_260 = arith.constant 0 : i32
      %dma_wait3A_261 = tpu.memref_slice %arg6[%add3A_256, %dma_wait3A_260] : memref<256x100xi32, #tpu.memory_space<vmem>> -> memref<1x100xi32, #tpu.memory_space<vmem>>
      %dma_wait3A_262 = tpu.memref_squeeze %dma_wait3A_261 : memref<1x100xi32, #tpu.memory_space<vmem>> -> memref<100xi32, #tpu.memory_space<vmem>>
      %dma_wait3A_263 = arith.constant 0 : i32
      %dma_wait3A_264 = arith.constant 0 : i32
      %dma_wait3A_265 = tpu.memref_slice %arg4[%dma_wait3A_263, %dma_wait3A_264] : memref<1000000x64xf32, #tpu.memory_space<hbm>> -> memref<1000000x64xf32, #tpu.memory_space<hbm>>
      tpu.wait_indirect_dma semaphore(%arg11 : memref<!tpu.dma_semaphore, #tpu.memory_space<semaphore_mem>>) src(%dma_wait3A_265 : memref<1000000x64xf32, #tpu.memory_space<hbm>>) dst(%dma_wait3A_259 : memref<100x64xf32, #tpu.memory_space<vmem>>)
      %mul3A_266 = arith.constant 4 : i32
      %mul3A_267 = arith.muli %add3A_58, %mul3A_266 : i32
      %add3A_268 = arith.constant 3 : i32
      %add3A_269 = arith.addi %mul3A_267, %add3A_268 : i32
      %dma_wait3A_270 = arith.constant 300 : i32
      %dma_wait3A_271 = arith.constant 0 : i32
      %dma_wait3A_272 = tpu.memref_slice %arg9[%dma_wait3A_270, %dma_wait3A_271] : memref<400x64xf32, #tpu.memory_space<vmem>> -> memref<100x64xf32, #tpu.memory_space<vmem>>
      %dma_wait3A_273 = arith.constant 0 : i32
      %dma_wait3A_274 = tpu.memref_slice %arg6[%add3A_269, %dma_wait3A_273] : memref<256x100xi32, #tpu.memory_space<vmem>> -> memref<1x100xi32, #tpu.memory_space<vmem>>
      %dma_wait3A_275 = tpu.memref_squeeze %dma_wait3A_274 : memref<1x100xi32, #tpu.memory_space<vmem>> -> memref<100xi32, #tpu.memory_space<vmem>>
      %dma_wait3A_276 = arith.constant 0 : i32
      %dma_wait3A_277 = arith.constant 0 : i32
      %dma_wait3A_278 = tpu.memref_slice %arg4[%dma_wait3A_276, %dma_wait3A_277] : memref<1000000x64xf32, #tpu.memory_space<hbm>> -> memref<1000000x64xf32, #tpu.memory_space<hbm>>
      tpu.wait_indirect_dma semaphore(%arg11 : memref<!tpu.dma_semaphore, #tpu.memory_space<semaphore_mem>>) src(%dma_wait3A_278 : memref<1000000x64xf32, #tpu.memory_space<hbm>>) dst(%dma_wait3A_272 : memref<100x64xf32, #tpu.memory_space<vmem>>)
      %mul3A_279 = arith.constant 2 : i32
      %mul3A_280 = arith.muli %add3A_58, %mul3A_279 : i32
      %add3A_281 = arith.constant 0 : i32
      %add3A_282 = arith.addi %mul3A_280, %add3A_281 : i32
      %get3A_283 = arith.index_cast %add3A_282 : i32 to index
      %get3A_284 = arith.constant 0 : index
      %get3A_285 = tpu.vector_load %arg7[%get3A_283, %get3A_284] {strides = array<i32>} : memref<128x64xf32, #tpu.memory_space<vmem>>, vector<1x16xf32>,
      %get3A_286 = vector.shape_cast %get3A_285 : vector<1x16xf32> to vector<16xf32>
      %get3A_287 = arith.index_cast %add3A_282 : i32 to index
      %get3A_288 = arith.constant 16 : index
      %get3A_289 = tpu.vector_load %arg7[%get3A_287, %get3A_288] {strides = array<i32>} : memref<128x64xf32, #tpu.memory_space<vmem>>, vector<1x16xf32>,
      %get3A_290 = vector.shape_cast %get3A_289 : vector<1x16xf32> to vector<16xf32>
      %get3A_291 = arith.index_cast %add3A_282 : i32 to index
      %get3A_292 = arith.constant 32 : index
      %get3A_293 = tpu.vector_load %arg7[%get3A_291, %get3A_292] {strides = array<i32>} : memref<128x64xf32, #tpu.memory_space<vmem>>, vector<1x16xf32>,
      %get3A_294 = vector.shape_cast %get3A_293 : vector<1x16xf32> to vector<16xf32>
      %get3A_295 = arith.index_cast %add3A_282 : i32 to index
      %get3A_296 = arith.constant 48 : index
      %get3A_297 = tpu.vector_load %arg7[%get3A_295, %get3A_296] {strides = array<i32>} : memref<128x64xf32, #tpu.memory_space<vmem>>, vector<1x16xf32>,
      %get3A_298 = vector.shape_cast %get3A_297 : vector<1x16xf32> to vector<16xf32>
      %scan3A_299 = arith.constant 0 : i32
      %scan3A_300 = arith.constant 0 : i32
      %scan3A_301 = arith.constant 200 : i32
      %scan3A_302 = arith.addi %scan3A_300, %scan3A_301 : i32
      %scan3A_303 = arith.constant 8 : i32
      scf.for %scan3A_338 = %scan3A_300 to %scan3A_302 step %scan3A_303  : i32 {
        %add3A_339 = arith.constant 0 : i32
        %add3A_340 = arith.addi %add3A_339, %scan3A_338 : i32
        %swap3A = arith.index_cast %add3A_340 : i32 to index
        %swap3A_341 = arith.constant 0 : index
        %swap3A_342 = tpu.vector_load %arg9[%swap3A, %swap3A_341] {strides = array<i32>} : memref<400x64xf32, #tpu.memory_space<vmem>>, vector<1x16xf32>,
        %swap3A_343 = vector.shape_cast %swap3A_342 : vector<1x16xf32> to vector<16xf32>
        %swap3A_344 = vector.shape_cast %get3A_286 : vector<16xf32> to vector<1x16xf32>
        tpu.vector_store %arg9[%swap3A, %swap3A_341], %swap3A_344 {add = true, strides = array<i32>} : memref<400x64xf32, #tpu.memory_space<vmem>>, vector<1x16xf32>,
        %add3A_345 = arith.constant 0 : i32
        %add3A_346 = arith.addi %add3A_345, %scan3A_338 : i32
        %swap3A_347 = arith.index_cast %add3A_346 : i32 to index
        %swap3A_348 = arith.constant 16 : index
        %swap3A_349 = tpu.vector_load %arg9[%swap3A_347, %swap3A_348] {strides = array<i32>} : memref<400x64xf32, #tpu.memory_space<vmem>>, vector<1x16xf32>,
        %swap3A_350 = vector.shape_cast %swap3A_349 : vector<1x16xf32> to vector<16xf32>
        %swap3A_351 = vector.shape_cast %get3A_290 : vector<16xf32> to vector<1x16xf32>
        tpu.vector_store %arg9[%swap3A_347, %swap3A_348], %swap3A_351 {add = true, strides = array<i32>} : memref<400x64xf32, #tpu.memory_space<vmem>>, vector<1x16xf32>,
        %add3A_352 = arith.constant 0 : i32
        %add3A_353 = arith.addi %add3A_352, %scan3A_338 : i32
        %swap3A_354 = arith.index_cast %add3A_353 : i32 to index
        %swap3A_355 = arith.constant 32 : index
        %swap3A_356 = tpu.vector_load %arg9[%swap3A_354, %swap3A_355] {strides = array<i32>} : memref<400x64xf32, #tpu.memory_space<vmem>>, vector<1x16xf32>,
        %swap3A_357 = vector.shape_cast %swap3A_356 : vector<1x16xf32> to vector<16xf32>
        %swap3A_358 = vector.shape_cast %get3A_294 : vector<16xf32> to vector<1x16xf32>
        tpu.vector_store %arg9[%swap3A_354, %swap3A_355], %swap3A_358 {add = true, strides = array<i32>} : memref<400x64xf32, #tpu.memory_space<vmem>>, vector<1x16xf32>,
        %add3A_359 = arith.constant 0 : i32
        %add3A_360 = arith.addi %add3A_359, %scan3A_338 : i32
        %swap3A_361 = arith.index_cast %add3A_360 : i32 to index
        %swap3A_362 = arith.constant 48 : index
        %swap3A_363 = tpu.vector_load %arg9[%swap3A_361, %swap3A_362] {strides = array<i32>} : memref<400x64xf32, #tpu.memory_space<vmem>>, vector<1x16xf32>,
        %swap3A_364 = vector.shape_cast %swap3A_363 : vector<1x16xf32> to vector<16xf32>
        %swap3A_365 = vector.shape_cast %get3A_298 : vector<16xf32> to vector<1x16xf32>
        tpu.vector_store %arg9[%swap3A_361, %swap3A_362], %swap3A_365 {add = true, strides = array<i32>} : memref<400x64xf32, #tpu.memory_space<vmem>>, vector<1x16xf32>,
        %scan3A_366 = arith.constant 1 : i32
        %scan3A_367 = arith.addi %scan3A_338, %scan3A_366 : i32
        %add3A_368 = arith.constant 0 : i32
        %add3A_369 = arith.addi %add3A_368, %scan3A_367 : i32
        %swap3A_370 = arith.index_cast %add3A_369 : i32 to index
        %swap3A_371 = arith.constant 0 : index
        %swap3A_372 = tpu.vector_load %arg9[%swap3A_370, %swap3A_371] {strides = array<i32>} : memref<400x64xf32, #tpu.memory_space<vmem>>, vector<1x16xf32>,
        %swap3A_373 = vector.shape_cast %swap3A_372 : vector<1x16xf32> to vector<16xf32>
        %swap3A_374 = vector.shape_cast %get3A_286 : vector<16xf32> to vector<1x16xf32>
        tpu.vector_store %arg9[%swap3A_370, %swap3A_371], %swap3A_374 {add = true, strides = array<i32>} : memref<400x64xf32, #tpu.memory_space<vmem>>, vector<1x16xf32>,
        %add3A_375 = arith.constant 0 : i32
        %add3A_376 = arith.addi %add3A_375, %scan3A_367 : i32
        %swap3A_377 = arith.index_cast %add3A_376 : i32 to index
        %swap3A_378 = arith.constant 16 : index
        %swap3A_379 = tpu.vector_load %arg9[%swap3A_377, %swap3A_378] {strides = array<i32>} : memref<400x64xf32, #tpu.memory_space<vmem>>, vector<1x16xf32>,
        %swap3A_380 = vector.shape_cast %swap3A_379 : vector<1x16xf32> to vector<16xf32>
        %swap3A_381 = vector.shape_cast %get3A_290 : vector<16xf32> to vector<1x16xf32>
        tpu.vector_store %arg9[%swap3A_377, %swap3A_378], %swap3A_381 {add = true, strides = array<i32>} : memref<400x64xf32, #tpu.memory_space<vmem>>, vector<1x16xf32>,
        %add3A_382 = arith.constant 0 : i32
        %add3A_383 = arith.addi %add3A_382, %scan3A_367 : i32
        %swap3A_384 = arith.index_cast %add3A_383 : i32 to index
        %swap3A_385 = arith.constant 32 : index
        %swap3A_386 = tpu.vector_load %arg9[%swap3A_384, %swap3A_385] {strides = array<i32>} : memref<400x64xf32, #tpu.memory_space<vmem>>, vector<1x16xf32>,
        %swap3A_387 = vector.shape_cast %swap3A_386 : vector<1x16xf32> to vector<16xf32>
        %swap3A_388 = vector.shape_cast %get3A_294 : vector<16xf32> to vector<1x16xf32>
        tpu.vector_store %arg9[%swap3A_384, %swap3A_385], %swap3A_388 {add = true, strides = array<i32>} : memref<400x64xf32, #tpu.memory_space<vmem>>, vector<1x16xf32>,
        %add3A_389 = arith.constant 0 : i32
        %add3A_390 = arith.addi %add3A_389, %scan3A_367 : i32
        %swap3A_391 = arith.index_cast %add3A_390 : i32 to index
        %swap3A_392 = arith.constant 48 : index
        %swap3A_393 = tpu.vector_load %arg9[%swap3A_391, %swap3A_392] {strides = array<i32>} : memref<400x64xf32, #tpu.memory_space<vmem>>, vector<1x16xf32>,
        %swap3A_394 = vector.shape_cast %swap3A_393 : vector<1x16xf32> to vector<16xf32>
        %swap3A_395 = vector.shape_cast %get3A_298 : vector<16xf32> to vector<1x16xf32>
        tpu.vector_store %arg9[%swap3A_391, %swap3A_392], %swap3A_395 {add = true, strides = array<i32>} : memref<400x64xf32, #tpu.memory_space<vmem>>, vector<1x16xf32>,
        %scan3A_396 = arith.constant 2 : i32
        %scan3A_397 = arith.addi %scan3A_338, %scan3A_396 : i32
        %add3A_398 = arith.constant 0 : i32
        %add3A_399 = arith.addi %add3A_398, %scan3A_397 : i32
        %swap3A_400 = arith.index_cast %add3A_399 : i32 to index
        %swap3A_401 = arith.constant 0 : index
        %swap3A_402 = tpu.vector_load %arg9[%swap3A_400, %swap3A_401] {strides = array<i32>} : memref<400x64xf32, #tpu.memory_space<vmem>>, vector<1x16xf32>,
        %swap3A_403 = vector.shape_cast %swap3A_402 : vector<1x16xf32> to vector<16xf32>
        %swap3A_404 = vector.shape_cast %get3A_286 : vector<16xf32> to vector<1x16xf32>
        tpu.vector_store %arg9[%swap3A_400, %swap3A_401], %swap3A_404 {add = true, strides = array<i32>} : memref<400x64xf32, #tpu.memory_space<vmem>>, vector<1x16xf32>,
        %add3A_405 = arith.constant 0 : i32
        %add3A_406 = arith.addi %add3A_405, %scan3A_397 : i32
        %swap3A_407 = arith.index_cast %add3A_406 : i32 to index
        %swap3A_408 = arith.constant 16 : index
        %swap3A_409 = tpu.vector_load %arg9[%swap3A_407, %swap3A_408] {strides = array<i32>} : memref<400x64xf32, #tpu.memory_space<vmem>>, vector<1x16xf32>,
        %swap3A_410 = vector.shape_cast %swap3A_409 : vector<1x16xf32> to vector<16xf32>
        %swap3A_411 = vector.shape_cast %get3A_290 : vector<16xf32> to vector<1x16xf32>
        tpu.vector_store %arg9[%swap3A_407, %swap3A_408], %swap3A_411 {add = true, strides = array<i32>} : memref<400x64xf32, #tpu.memory_space<vmem>>, vector<1x16xf32>,
        %add3A_412 = arith.constant 0 : i32
        %add3A_413 = arith.addi %add3A_412, %scan3A_397 : i32
        %swap3A_414 = arith.index_cast %add3A_413 : i32 to index
        %swap3A_415 = arith.constant 32 : index
        %swap3A_416 = tpu.vector_load %arg9[%swap3A_414, %swap3A_415] {strides = array<i32>} : memref<400x64xf32, #tpu.memory_space<vmem>>, vector<1x16xf32>,
        %swap3A_417 = vector.shape_cast %swap3A_416 : vector<1x16xf32> to vector<16xf32>
        %swap3A_418 = vector.shape_cast %get3A_294 : vector<16xf32> to vector<1x16xf32>
        tpu.vector_store %arg9[%swap3A_414, %swap3A_415], %swap3A_418 {add = true, strides = array<i32>} : memref<400x64xf32, #tpu.memory_space<vmem>>, vector<1x16xf32>,
        %add3A_419 = arith.constant 0 : i32
        %add3A_420 = arith.addi %add3A_419, %scan3A_397 : i32
        %swap3A_421 = arith.index_cast %add3A_420 : i32 to index
        %swap3A_422 = arith.constant 48 : index
        %swap3A_423 = tpu.vector_load %arg9[%swap3A_421, %swap3A_422] {strides = array<i32>} : memref<400x64xf32, #tpu.memory_space<vmem>>, vector<1x16xf32>,
        %swap3A_424 = vector.shape_cast %swap3A_423 : vector<1x16xf32> to vector<16xf32>
        %swap3A_425 = vector.shape_cast %get3A_298 : vector<16xf32> to vector<1x16xf32>
        tpu.vector_store %arg9[%swap3A_421, %swap3A_422], %swap3A_425 {add = true, strides = array<i32>} : memref<400x64xf32, #tpu.memory_space<vmem>>, vector<1x16xf32>,
        %scan3A_426 = arith.constant 3 : i32
        %scan3A_427 = arith.addi %scan3A_338, %scan3A_426 : i32
        %add3A_428 = arith.constant 0 : i32
        %add3A_429 = arith.addi %add3A_428, %scan3A_427 : i32
        %swap3A_430 = arith.index_cast %add3A_429 : i32 to index
        %swap3A_431 = arith.constant 0 : index
        %swap3A_432 = tpu.vector_load %arg9[%swap3A_430, %swap3A_431] {strides = array<i32>} : memref<400x64xf32, #tpu.memory_space<vmem>>, vector<1x16xf32>,
        %swap3A_433 = vector.shape_cast %swap3A_432 : vector<1x16xf32> to vector<16xf32>
        %swap3A_434 = vector.shape_cast %get3A_286 : vector<16xf32> to vector<1x16xf32>
        tpu.vector_store %arg9[%swap3A_430, %swap3A_431], %swap3A_434 {add = true, strides = array<i32>} : memref<400x64xf32, #tpu.memory_space<vmem>>, vector<1x16xf32>,
        %add3A_435 = arith.constant 0 : i32
        %add3A_436 = arith.addi %add3A_435, %scan3A_427 : i32
        %swap3A_437 = arith.index_cast %add3A_436 : i32 to index
        %swap3A_438 = arith.constant 16 : index
        %swap3A_439 = tpu.vector_load %arg9[%swap3A_437, %swap3A_438] {strides = array<i32>} : memref<400x64xf32, #tpu.memory_space<vmem>>, vector<1x16xf32>,
        %swap3A_440 = vector.shape_cast %swap3A_439 : vector<1x16xf32> to vector<16xf32>
        %swap3A_441 = vector.shape_cast %get3A_290 : vector<16xf32> to vector<1x16xf32>
        tpu.vector_store %arg9[%swap3A_437, %swap3A_438], %swap3A_441 {add = true, strides = array<i32>} : memref<400x64xf32, #tpu.memory_space<vmem>>, vector<1x16xf32>,
        %add3A_442 = arith.constant 0 : i32
        %add3A_443 = arith.addi %add3A_442, %scan3A_427 : i32
        %swap3A_444 = arith.index_cast %add3A_443 : i32 to index
        %swap3A_445 = arith.constant 32 : index
        %swap3A_446 = tpu.vector_load %arg9[%swap3A_444, %swap3A_445] {strides = array<i32>} : memref<400x64xf32, #tpu.memory_space<vmem>>, vector<1x16xf32>,
        %swap3A_447 = vector.shape_cast %swap3A_446 : vector<1x16xf32> to vector<16xf32>
        %swap3A_448 = vector.shape_cast %get3A_294 : vector<16xf32> to vector<1x16xf32>
        tpu.vector_store %arg9[%swap3A_444, %swap3A_445], %swap3A_448 {add = true, strides = array<i32>} : memref<400x64xf32, #tpu.memory_space<vmem>>, vector<1x16xf32>,
        %add3A_449 = arith.constant 0 : i32
        %add3A_450 = arith.addi %add3A_449, %scan3A_427 : i32
        %swap3A_451 = arith.index_cast %add3A_450 : i32 to index
        %swap3A_452 = arith.constant 48 : index
        %swap3A_453 = tpu.vector_load %arg9[%swap3A_451, %swap3A_452] {strides = array<i32>} : memref<400x64xf32, #tpu.memory_space<vmem>>, vector<1x16xf32>,
        %swap3A_454 = vector.shape_cast %swap3A_453 : vector<1x16xf32> to vector<16xf32>
        %swap3A_455 = vector.shape_cast %get3A_298 : vector<16xf32> to vector<1x16xf32>
        tpu.vector_store %arg9[%swap3A_451, %swap3A_452], %swap3A_455 {add = true, strides = array<i32>} : memref<400x64xf32, #tpu.memory_space<vmem>>, vector<1x16xf32>,
        %scan3A_456 = arith.constant 4 : i32
        %scan3A_457 = arith.addi %scan3A_338, %scan3A_456 : i32
        %add3A_458 = arith.constant 0 : i32
        %add3A_459 = arith.addi %add3A_458, %scan3A_457 : i32
        %swap3A_460 = arith.index_cast %add3A_459 : i32 to index
        %swap3A_461 = arith.constant 0 : index
        %swap3A_462 = tpu.vector_load %arg9[%swap3A_460, %swap3A_461] {strides = array<i32>} : memref<400x64xf32, #tpu.memory_space<vmem>>, vector<1x16xf32>,
        %swap3A_463 = vector.shape_cast %swap3A_462 : vector<1x16xf32> to vector<16xf32>
        %swap3A_464 = vector.shape_cast %get3A_286 : vector<16xf32> to vector<1x16xf32>
        tpu.vector_store %arg9[%swap3A_460, %swap3A_461], %swap3A_464 {add = true, strides = array<i32>} : memref<400x64xf32, #tpu.memory_space<vmem>>, vector<1x16xf32>,
        %add3A_465 = arith.constant 0 : i32
        %add3A_466 = arith.addi %add3A_465, %scan3A_457 : i32
        %swap3A_467 = arith.index_cast %add3A_466 : i32 to index
        %swap3A_468 = arith.constant 16 : index
        %swap3A_469 = tpu.vector_load %arg9[%swap3A_467, %swap3A_468] {strides = array<i32>} : memref<400x64xf32, #tpu.memory_space<vmem>>, vector<1x16xf32>,
        %swap3A_470 = vector.shape_cast %swap3A_469 : vector<1x16xf32> to vector<16xf32>
        %swap3A_471 = vector.shape_cast %get3A_290 : vector<16xf32> to vector<1x16xf32>
        tpu.vector_store %arg9[%swap3A_467, %swap3A_468], %swap3A_471 {add = true, strides = array<i32>} : memref<400x64xf32, #tpu.memory_space<vmem>>, vector<1x16xf32>,
        %add3A_472 = arith.constant 0 : i32
        %add3A_473 = arith.addi %add3A_472, %scan3A_457 : i32
        %swap3A_474 = arith.index_cast %add3A_473 : i32 to index
        %swap3A_475 = arith.constant 32 : index
        %swap3A_476 = tpu.vector_load %arg9[%swap3A_474, %swap3A_475] {strides = array<i32>} : memref<400x64xf32, #tpu.memory_space<vmem>>, vector<1x16xf32>,
        %swap3A_477 = vector.shape_cast %swap3A_476 : vector<1x16xf32> to vector<16xf32>
        %swap3A_478 = vector.shape_cast %get3A_294 : vector<16xf32> to vector<1x16xf32>
        tpu.vector_store %arg9[%swap3A_474, %swap3A_475], %swap3A_478 {add = true, strides = array<i32>} : memref<400x64xf32, #tpu.memory_space<vmem>>, vector<1x16xf32>,
        %add3A_479 = arith.constant 0 : i32
        %add3A_480 = arith.addi %add3A_479, %scan3A_457 : i32
        %swap3A_481 = arith.index_cast %add3A_480 : i32 to index
        %swap3A_482 = arith.constant 48 : index
        %swap3A_483 = tpu.vector_load %arg9[%swap3A_481, %swap3A_482] {strides = array<i32>} : memref<400x64xf32, #tpu.memory_space<vmem>>, vector<1x16xf32>,
        %swap3A_484 = vector.shape_cast %swap3A_483 : vector<1x16xf32> to vector<16xf32>
        %swap3A_485 = vector.shape_cast %get3A_298 : vector<16xf32> to vector<1x16xf32>
        tpu.vector_store %arg9[%swap3A_481, %swap3A_482], %swap3A_485 {add = true, strides = array<i32>} : memref<400x64xf32, #tpu.memory_space<vmem>>, vector<1x16xf32>,
        %scan3A_486 = arith.constant 5 : i32
        %scan3A_487 = arith.addi %scan3A_338, %scan3A_486 : i32
        %add3A_488 = arith.constant 0 : i32
        %add3A_489 = arith.addi %add3A_488, %scan3A_487 : i32
        %swap3A_490 = arith.index_cast %add3A_489 : i32 to index
        %swap3A_491 = arith.constant 0 : index
        %swap3A_492 = tpu.vector_load %arg9[%swap3A_490, %swap3A_491] {strides = array<i32>} : memref<400x64xf32, #tpu.memory_space<vmem>>, vector<1x16xf32>,
        %swap3A_493 = vector.shape_cast %swap3A_492 : vector<1x16xf32> to vector<16xf32>
        %swap3A_494 = vector.shape_cast %get3A_286 : vector<16xf32> to vector<1x16xf32>
        tpu.vector_store %arg9[%swap3A_490, %swap3A_491], %swap3A_494 {add = true, strides = array<i32>} : memref<400x64xf32, #tpu.memory_space<vmem>>, vector<1x16xf32>,
        %add3A_495 = arith.constant 0 : i32
        %add3A_496 = arith.addi %add3A_495, %scan3A_487 : i32
        %swap3A_497 = arith.index_cast %add3A_496 : i32 to index
        %swap3A_498 = arith.constant 16 : index
        %swap3A_499 = tpu.vector_load %arg9[%swap3A_497, %swap3A_498] {strides = array<i32>} : memref<400x64xf32, #tpu.memory_space<vmem>>, vector<1x16xf32>,
        %swap3A_500 = vector.shape_cast %swap3A_499 : vector<1x16xf32> to vector<16xf32>
        %swap3A_501 = vector.shape_cast %get3A_290 : vector<16xf32> to vector<1x16xf32>
        tpu.vector_store %arg9[%swap3A_497, %swap3A_498], %swap3A_501 {add = true, strides = array<i32>} : memref<400x64xf32, #tpu.memory_space<vmem>>, vector<1x16xf32>,
        %add3A_502 = arith.constant 0 : i32
        %add3A_503 = arith.addi %add3A_502, %scan3A_487 : i32
        %swap3A_504 = arith.index_cast %add3A_503 : i32 to index
        %swap3A_505 = arith.constant 32 : index
        %swap3A_506 = tpu.vector_load %arg9[%swap3A_504, %swap3A_505] {strides = array<i32>} : memref<400x64xf32, #tpu.memory_space<vmem>>, vector<1x16xf32>,
        %swap3A_507 = vector.shape_cast %swap3A_506 : vector<1x16xf32> to vector<16xf32>
        %swap3A_508 = vector.shape_cast %get3A_294 : vector<16xf32> to vector<1x16xf32>
        tpu.vector_store %arg9[%swap3A_504, %swap3A_505], %swap3A_508 {add = true, strides = array<i32>} : memref<400x64xf32, #tpu.memory_space<vmem>>, vector<1x16xf32>,
        %add3A_509 = arith.constant 0 : i32
        %add3A_510 = arith.addi %add3A_509, %scan3A_487 : i32
        %swap3A_511 = arith.index_cast %add3A_510 : i32 to index
        %swap3A_512 = arith.constant 48 : index
        %swap3A_513 = tpu.vector_load %arg9[%swap3A_511, %swap3A_512] {strides = array<i32>} : memref<400x64xf32, #tpu.memory_space<vmem>>, vector<1x16xf32>,
        %swap3A_514 = vector.shape_cast %swap3A_513 : vector<1x16xf32> to vector<16xf32>
        %swap3A_515 = vector.shape_cast %get3A_298 : vector<16xf32> to vector<1x16xf32>
        tpu.vector_store %arg9[%swap3A_511, %swap3A_512], %swap3A_515 {add = true, strides = array<i32>} : memref<400x64xf32, #tpu.memory_space<vmem>>, vector<1x16xf32>,
        %scan3A_516 = arith.constant 6 : i32
        %scan3A_517 = arith.addi %scan3A_338, %scan3A_516 : i32
        %add3A_518 = arith.constant 0 : i32
        %add3A_519 = arith.addi %add3A_518, %scan3A_517 : i32
        %swap3A_520 = arith.index_cast %add3A_519 : i32 to index
        %swap3A_521 = arith.constant 0 : index
        %swap3A_522 = tpu.vector_load %arg9[%swap3A_520, %swap3A_521] {strides = array<i32>} : memref<400x64xf32, #tpu.memory_space<vmem>>, vector<1x16xf32>,
        %swap3A_523 = vector.shape_cast %swap3A_522 : vector<1x16xf32> to vector<16xf32>
        %swap3A_524 = vector.shape_cast %get3A_286 : vector<16xf32> to vector<1x16xf32>
        tpu.vector_store %arg9[%swap3A_520, %swap3A_521], %swap3A_524 {add = true, strides = array<i32>} : memref<400x64xf32, #tpu.memory_space<vmem>>, vector<1x16xf32>,
        %add3A_525 = arith.constant 0 : i32
        %add3A_526 = arith.addi %add3A_525, %scan3A_517 : i32
        %swap3A_527 = arith.index_cast %add3A_526 : i32 to index
        %swap3A_528 = arith.constant 16 : index
        %swap3A_529 = tpu.vector_load %arg9[%swap3A_527, %swap3A_528] {strides = array<i32>} : memref<400x64xf32, #tpu.memory_space<vmem>>, vector<1x16xf32>,
        %swap3A_530 = vector.shape_cast %swap3A_529 : vector<1x16xf32> to vector<16xf32>
        %swap3A_531 = vector.shape_cast %get3A_290 : vector<16xf32> to vector<1x16xf32>
        tpu.vector_store %arg9[%swap3A_527, %swap3A_528], %swap3A_531 {add = true, strides = array<i32>} : memref<400x64xf32, #tpu.memory_space<vmem>>, vector<1x16xf32>,
        %add3A_532 = arith.constant 0 : i32
        %add3A_533 = arith.addi %add3A_532, %scan3A_517 : i32
        %swap3A_534 = arith.index_cast %add3A_533 : i32 to index
        %swap3A_535 = arith.constant 32 : index
        %swap3A_536 = tpu.vector_load %arg9[%swap3A_534, %swap3A_535] {strides = array<i32>} : memref<400x64xf32, #tpu.memory_space<vmem>>, vector<1x16xf32>,
        %swap3A_537 = vector.shape_cast %swap3A_536 : vector<1x16xf32> to vector<16xf32>
        %swap3A_538 = vector.shape_cast %get3A_294 : vector<16xf32> to vector<1x16xf32>
        tpu.vector_store %arg9[%swap3A_534, %swap3A_535], %swap3A_538 {add = true, strides = array<i32>} : memref<400x64xf32, #tpu.memory_space<vmem>>, vector<1x16xf32>,
        %add3A_539 = arith.constant 0 : i32
        %add3A_540 = arith.addi %add3A_539, %scan3A_517 : i32
        %swap3A_541 = arith.index_cast %add3A_540 : i32 to index
        %swap3A_542 = arith.constant 48 : index
        %swap3A_543 = tpu.vector_load %arg9[%swap3A_541, %swap3A_542] {strides = array<i32>} : memref<400x64xf32, #tpu.memory_space<vmem>>, vector<1x16xf32>,
        %swap3A_544 = vector.shape_cast %swap3A_543 : vector<1x16xf32> to vector<16xf32>
        %swap3A_545 = vector.shape_cast %get3A_298 : vector<16xf32> to vector<1x16xf32>
        tpu.vector_store %arg9[%swap3A_541, %swap3A_542], %swap3A_545 {add = true, strides = array<i32>} : memref<400x64xf32, #tpu.memory_space<vmem>>, vector<1x16xf32>,
        %scan3A_546 = arith.constant 7 : i32
        %scan3A_547 = arith.addi %scan3A_338, %scan3A_546 : i32
        %add3A_548 = arith.constant 0 : i32
        %add3A_549 = arith.addi %add3A_548, %scan3A_547 : i32
        %swap3A_550 = arith.index_cast %add3A_549 : i32 to index
        %swap3A_551 = arith.constant 0 : index
        %swap3A_552 = tpu.vector_load %arg9[%swap3A_550, %swap3A_551] {strides = array<i32>} : memref<400x64xf32, #tpu.memory_space<vmem>>, vector<1x16xf32>,
        %swap3A_553 = vector.shape_cast %swap3A_552 : vector<1x16xf32> to vector<16xf32>
        %swap3A_554 = vector.shape_cast %get3A_286 : vector<16xf32> to vector<1x16xf32>
        tpu.vector_store %arg9[%swap3A_550, %swap3A_551], %swap3A_554 {add = true, strides = array<i32>} : memref<400x64xf32, #tpu.memory_space<vmem>>, vector<1x16xf32>,
        %add3A_555 = arith.constant 0 : i32
        %add3A_556 = arith.addi %add3A_555, %scan3A_547 : i32
        %swap3A_557 = arith.index_cast %add3A_556 : i32 to index
        %swap3A_558 = arith.constant 16 : index
        %swap3A_559 = tpu.vector_load %arg9[%swap3A_557, %swap3A_558] {strides = array<i32>} : memref<400x64xf32, #tpu.memory_space<vmem>>, vector<1x16xf32>,
        %swap3A_560 = vector.shape_cast %swap3A_559 : vector<1x16xf32> to vector<16xf32>
        %swap3A_561 = vector.shape_cast %get3A_290 : vector<16xf32> to vector<1x16xf32>
        tpu.vector_store %arg9[%swap3A_557, %swap3A_558], %swap3A_561 {add = true, strides = array<i32>} : memref<400x64xf32, #tpu.memory_space<vmem>>, vector<1x16xf32>,
        %add3A_562 = arith.constant 0 : i32
        %add3A_563 = arith.addi %add3A_562, %scan3A_547 : i32
        %swap3A_564 = arith.index_cast %add3A_563 : i32 to index
        %swap3A_565 = arith.constant 32 : index
        %swap3A_566 = tpu.vector_load %arg9[%swap3A_564, %swap3A_565] {strides = array<i32>} : memref<400x64xf32, #tpu.memory_space<vmem>>, vector<1x16xf32>,
        %swap3A_567 = vector.shape_cast %swap3A_566 : vector<1x16xf32> to vector<16xf32>
        %swap3A_568 = vector.shape_cast %get3A_294 : vector<16xf32> to vector<1x16xf32>
        tpu.vector_store %arg9[%swap3A_564, %swap3A_565], %swap3A_568 {add = true, strides = array<i32>} : memref<400x64xf32, #tpu.memory_space<vmem>>, vector<1x16xf32>,
        %add3A_569 = arith.constant 0 : i32
        %add3A_570 = arith.addi %add3A_569, %scan3A_547 : i32
        %swap3A_571 = arith.index_cast %add3A_570 : i32 to index
        %swap3A_572 = arith.constant 48 : index
        %swap3A_573 = tpu.vector_load %arg9[%swap3A_571, %swap3A_572] {strides = array<i32>} : memref<400x64xf32, #tpu.memory_space<vmem>>, vector<1x16xf32>,
        %swap3A_574 = vector.shape_cast %swap3A_573 : vector<1x16xf32> to vector<16xf32>
        %swap3A_575 = vector.shape_cast %get3A_298 : vector<16xf32> to vector<1x16xf32>
        tpu.vector_store %arg9[%swap3A_571, %swap3A_572], %swap3A_575 {add = true, strides = array<i32>} : memref<400x64xf32, #tpu.memory_space<vmem>>, vector<1x16xf32>,
      }
      %scan3A_304 = arith.constant 200 : i32
      %mul3A_305 = arith.constant 2 : i32
      %mul3A_306 = arith.muli %add3A_58, %mul3A_305 : i32
      %add3A_307 = arith.constant 1 : i32
      %add3A_308 = arith.addi %mul3A_306, %add3A_307 : i32
      %get3A_309 = arith.index_cast %add3A_308 : i32 to index
      %get3A_310 = arith.constant 0 : index
      %get3A_311 = tpu.vector_load %arg7[%get3A_309, %get3A_310] {strides = array<i32>} : memref<128x64xf32, #tpu.memory_space<vmem>>, vector<1x16xf32>,
      %get3A_312 = vector.shape_cast %get3A_311 : vector<1x16xf32> to vector<16xf32>
      %get3A_313 = arith.index_cast %add3A_308 : i32 to index
      %get3A_314 = arith.constant 16 : index
      %get3A_315 = tpu.vector_load %arg7[%get3A_313, %get3A_314] {strides = array<i32>} : memref<128x64xf32, #tpu.memory_space<vmem>>, vector<1x16xf32>,
      %get3A_316 = vector.shape_cast %get3A_315 : vector<1x16xf32> to vector<16xf32>
      %get3A_317 = arith.index_cast %add3A_308 : i32 to index
      %get3A_318 = arith.constant 32 : index
      %get3A_319 = tpu.vector_load %arg7[%get3A_317, %get3A_318] {strides = array<i32>} : memref<128x64xf32, #tpu.memory_space<vmem>>, vector<1x16xf32>,
      %get3A_320 = vector.shape_cast %get3A_319 : vector<1x16xf32> to vector<16xf32>
      %get3A_321 = arith.index_cast %add3A_308 : i32 to index
      %get3A_322 = arith.constant 48 : index
      %get3A_323 = tpu.vector_load %arg7[%get3A_321, %get3A_322] {strides = array<i32>} : memref<128x64xf32, #tpu.memory_space<vmem>>, vector<1x16xf32>,
      %get3A_324 = vector.shape_cast %get3A_323 : vector<1x16xf32> to vector<16xf32>
      %scan3A_325 = arith.constant 0 : i32
      %scan3A_326 = arith.constant 0 : i32
      %scan3A_327 = arith.constant 200 : i32
      %scan3A_328 = arith.addi %scan3A_326, %scan3A_327 : i32
      %scan3A_329 = arith.constant 8 : i32
      scf.for %scan3A_338 = %scan3A_326 to %scan3A_328 step %scan3A_329  : i32 {
        %add3A_339 = arith.constant 200 : i32
        %add3A_340 = arith.addi %add3A_339, %scan3A_338 : i32
        %swap3A = arith.index_cast %add3A_340 : i32 to index
        %swap3A_341 = arith.constant 0 : index
        %swap3A_342 = tpu.vector_load %arg9[%swap3A, %swap3A_341] {strides = array<i32>} : memref<400x64xf32, #tpu.memory_space<vmem>>, vector<1x16xf32>,
        %swap3A_343 = vector.shape_cast %swap3A_342 : vector<1x16xf32> to vector<16xf32>
        %swap3A_344 = vector.shape_cast %get3A_312 : vector<16xf32> to vector<1x16xf32>
        tpu.vector_store %arg9[%swap3A, %swap3A_341], %swap3A_344 {add = true, strides = array<i32>} : memref<400x64xf32, #tpu.memory_space<vmem>>, vector<1x16xf32>,
        %add3A_345 = arith.constant 200 : i32
        %add3A_346 = arith.addi %add3A_345, %scan3A_338 : i32
        %swap3A_347 = arith.index_cast %add3A_346 : i32 to index
        %swap3A_348 = arith.constant 16 : index
        %swap3A_349 = tpu.vector_load %arg9[%swap3A_347, %swap3A_348] {strides = array<i32>} : memref<400x64xf32, #tpu.memory_space<vmem>>, vector<1x16xf32>,
        %swap3A_350 = vector.shape_cast %swap3A_349 : vector<1x16xf32> to vector<16xf32>
        %swap3A_351 = vector.shape_cast %get3A_316 : vector<16xf32> to vector<1x16xf32>
        tpu.vector_store %arg9[%swap3A_347, %swap3A_348], %swap3A_351 {add = true, strides = array<i32>} : memref<400x64xf32, #tpu.memory_space<vmem>>, vector<1x16xf32>,
        %add3A_352 = arith.constant 200 : i32
        %add3A_353 = arith.addi %add3A_352, %scan3A_338 : i32
        %swap3A_354 = arith.index_cast %add3A_353 : i32 to index
        %swap3A_355 = arith.constant 32 : index
        %swap3A_356 = tpu.vector_load %arg9[%swap3A_354, %swap3A_355] {strides = array<i32>} : memref<400x64xf32, #tpu.memory_space<vmem>>, vector<1x16xf32>,
        %swap3A_357 = vector.shape_cast %swap3A_356 : vector<1x16xf32> to vector<16xf32>
        %swap3A_358 = vector.shape_cast %get3A_320 : vector<16xf32> to vector<1x16xf32>
        tpu.vector_store %arg9[%swap3A_354, %swap3A_355], %swap3A_358 {add = true, strides = array<i32>} : memref<400x64xf32, #tpu.memory_space<vmem>>, vector<1x16xf32>,
        %add3A_359 = arith.constant 200 : i32
        %add3A_360 = arith.addi %add3A_359, %scan3A_338 : i32
        %swap3A_361 = arith.index_cast %add3A_360 : i32 to index
        %swap3A_362 = arith.constant 48 : index
        %swap3A_363 = tpu.vector_load %arg9[%swap3A_361, %swap3A_362] {strides = array<i32>} : memref<400x64xf32, #tpu.memory_space<vmem>>, vector<1x16xf32>,
        %swap3A_364 = vector.shape_cast %swap3A_363 : vector<1x16xf32> to vector<16xf32>
        %swap3A_365 = vector.shape_cast %get3A_324 : vector<16xf32> to vector<1x16xf32>
        tpu.vector_store %arg9[%swap3A_361, %swap3A_362], %swap3A_365 {add = true, strides = array<i32>} : memref<400x64xf32, #tpu.memory_space<vmem>>, vector<1x16xf32>,
        %scan3A_366 = arith.constant 1 : i32
        %scan3A_367 = arith.addi %scan3A_338, %scan3A_366 : i32
        %add3A_368 = arith.constant 200 : i32
        %add3A_369 = arith.addi %add3A_368, %scan3A_367 : i32
        %swap3A_370 = arith.index_cast %add3A_369 : i32 to index
        %swap3A_371 = arith.constant 0 : index
        %swap3A_372 = tpu.vector_load %arg9[%swap3A_370, %swap3A_371] {strides = array<i32>} : memref<400x64xf32, #tpu.memory_space<vmem>>, vector<1x16xf32>,
        %swap3A_373 = vector.shape_cast %swap3A_372 : vector<1x16xf32> to vector<16xf32>
        %swap3A_374 = vector.shape_cast %get3A_312 : vector<16xf32> to vector<1x16xf32>
        tpu.vector_store %arg9[%swap3A_370, %swap3A_371], %swap3A_374 {add = true, strides = array<i32>} : memref<400x64xf32, #tpu.memory_space<vmem>>, vector<1x16xf32>,
        %add3A_375 = arith.constant 200 : i32
        %add3A_376 = arith.addi %add3A_375, %scan3A_367 : i32
        %swap3A_377 = arith.index_cast %add3A_376 : i32 to index
        %swap3A_378 = arith.constant 16 : index
        %swap3A_379 = tpu.vector_load %arg9[%swap3A_377, %swap3A_378] {strides = array<i32>} : memref<400x64xf32, #tpu.memory_space<vmem>>, vector<1x16xf32>,
        %swap3A_380 = vector.shape_cast %swap3A_379 : vector<1x16xf32> to vector<16xf32>
        %swap3A_381 = vector.shape_cast %get3A_316 : vector<16xf32> to vector<1x16xf32>
        tpu.vector_store %arg9[%swap3A_377, %swap3A_378], %swap3A_381 {add = true, strides = array<i32>} : memref<400x64xf32, #tpu.memory_space<vmem>>, vector<1x16xf32>,
        %add3A_382 = arith.constant 200 : i32
        %add3A_383 = arith.addi %add3A_382, %scan3A_367 : i32
        %swap3A_384 = arith.index_cast %add3A_383 : i32 to index
        %swap3A_385 = arith.constant 32 : index
        %swap3A_386 = tpu.vector_load %arg9[%swap3A_384, %swap3A_385] {strides = array<i32>} : memref<400x64xf32, #tpu.memory_space<vmem>>, vector<1x16xf32>,
        %swap3A_387 = vector.shape_cast %swap3A_386 : vector<1x16xf32> to vector<16xf32>
        %swap3A_388 = vector.shape_cast %get3A_320 : vector<16xf32> to vector<1x16xf32>
        tpu.vector_store %arg9[%swap3A_384, %swap3A_385], %swap3A_388 {add = true, strides = array<i32>} : memref<400x64xf32, #tpu.memory_space<vmem>>, vector<1x16xf32>,
        %add3A_389 = arith.constant 200 : i32
        %add3A_390 = arith.addi %add3A_389, %scan3A_367 : i32
        %swap3A_391 = arith.index_cast %add3A_390 : i32 to index
        %swap3A_392 = arith.constant 48 : index
        %swap3A_393 = tpu.vector_load %arg9[%swap3A_391, %swap3A_392] {strides = array<i32>} : memref<400x64xf32, #tpu.memory_space<vmem>>, vector<1x16xf32>,
        %swap3A_394 = vector.shape_cast %swap3A_393 : vector<1x16xf32> to vector<16xf32>
        %swap3A_395 = vector.shape_cast %get3A_324 : vector<16xf32> to vector<1x16xf32>
        tpu.vector_store %arg9[%swap3A_391, %swap3A_392], %swap3A_395 {add = true, strides = array<i32>} : memref<400x64xf32, #tpu.memory_space<vmem>>, vector<1x16xf32>,
        %scan3A_396 = arith.constant 2 : i32
        %scan3A_397 = arith.addi %scan3A_338, %scan3A_396 : i32
        %add3A_398 = arith.constant 200 : i32
        %add3A_399 = arith.addi %add3A_398, %scan3A_397 : i32
        %swap3A_400 = arith.index_cast %add3A_399 : i32 to index
        %swap3A_401 = arith.constant 0 : index
        %swap3A_402 = tpu.vector_load %arg9[%swap3A_400, %swap3A_401] {strides = array<i32>} : memref<400x64xf32, #tpu.memory_space<vmem>>, vector<1x16xf32>,
        %swap3A_403 = vector.shape_cast %swap3A_402 : vector<1x16xf32> to vector<16xf32>
        %swap3A_404 = vector.shape_cast %get3A_312 : vector<16xf32> to vector<1x16xf32>
        tpu.vector_store %arg9[%swap3A_400, %swap3A_401], %swap3A_404 {add = true, strides = array<i32>} : memref<400x64xf32, #tpu.memory_space<vmem>>, vector<1x16xf32>,
        %add3A_405 = arith.constant 200 : i32
        %add3A_406 = arith.addi %add3A_405, %scan3A_397 : i32
        %swap3A_407 = arith.index_cast %add3A_406 : i32 to index
        %swap3A_408 = arith.constant 16 : index
        %swap3A_409 = tpu.vector_load %arg9[%swap3A_407, %swap3A_408] {strides = array<i32>} : memref<400x64xf32, #tpu.memory_space<vmem>>, vector<1x16xf32>,
        %swap3A_410 = vector.shape_cast %swap3A_409 : vector<1x16xf32> to vector<16xf32>
        %swap3A_411 = vector.shape_cast %get3A_316 : vector<16xf32> to vector<1x16xf32>
        tpu.vector_store %arg9[%swap3A_407, %swap3A_408], %swap3A_411 {add = true, strides = array<i32>} : memref<400x64xf32, #tpu.memory_space<vmem>>, vector<1x16xf32>,
        %add3A_412 = arith.constant 200 : i32
        %add3A_413 = arith.addi %add3A_412, %scan3A_397 : i32
        %swap3A_414 = arith.index_cast %add3A_413 : i32 to index
        %swap3A_415 = arith.constant 32 : index
        %swap3A_416 = tpu.vector_load %arg9[%swap3A_414, %swap3A_415] {strides = array<i32>} : memref<400x64xf32, #tpu.memory_space<vmem>>, vector<1x16xf32>,
        %swap3A_417 = vector.shape_cast %swap3A_416 : vector<1x16xf32> to vector<16xf32>
        %swap3A_418 = vector.shape_cast %get3A_320 : vector<16xf32> to vector<1x16xf32>
        tpu.vector_store %arg9[%swap3A_414, %swap3A_415], %swap3A_418 {add = true, strides = array<i32>} : memref<400x64xf32, #tpu.memory_space<vmem>>, vector<1x16xf32>,
        %add3A_419 = arith.constant 200 : i32
        %add3A_420 = arith.addi %add3A_419, %scan3A_397 : i32
        %swap3A_421 = arith.index_cast %add3A_420 : i32 to index
        %swap3A_422 = arith.constant 48 : index
        %swap3A_423 = tpu.vector_load %arg9[%swap3A_421, %swap3A_422] {strides = array<i32>} : memref<400x64xf32, #tpu.memory_space<vmem>>, vector<1x16xf32>,
        %swap3A_424 = vector.shape_cast %swap3A_423 : vector<1x16xf32> to vector<16xf32>
        %swap3A_425 = vector.shape_cast %get3A_324 : vector<16xf32> to vector<1x16xf32>
        tpu.vector_store %arg9[%swap3A_421, %swap3A_422], %swap3A_425 {add = true, strides = array<i32>} : memref<400x64xf32, #tpu.memory_space<vmem>>, vector<1x16xf32>,
        %scan3A_426 = arith.constant 3 : i32
        %scan3A_427 = arith.addi %scan3A_338, %scan3A_426 : i32
        %add3A_428 = arith.constant 200 : i32
        %add3A_429 = arith.addi %add3A_428, %scan3A_427 : i32
        %swap3A_430 = arith.index_cast %add3A_429 : i32 to index
        %swap3A_431 = arith.constant 0 : index
        %swap3A_432 = tpu.vector_load %arg9[%swap3A_430, %swap3A_431] {strides = array<i32>} : memref<400x64xf32, #tpu.memory_space<vmem>>, vector<1x16xf32>,
        %swap3A_433 = vector.shape_cast %swap3A_432 : vector<1x16xf32> to vector<16xf32>
        %swap3A_434 = vector.shape_cast %get3A_312 : vector<16xf32> to vector<1x16xf32>
        tpu.vector_store %arg9[%swap3A_430, %swap3A_431], %swap3A_434 {add = true, strides = array<i32>} : memref<400x64xf32, #tpu.memory_space<vmem>>, vector<1x16xf32>,
        %add3A_435 = arith.constant 200 : i32
        %add3A_436 = arith.addi %add3A_435, %scan3A_427 : i32
        %swap3A_437 = arith.index_cast %add3A_436 : i32 to index
        %swap3A_438 = arith.constant 16 : index
        %swap3A_439 = tpu.vector_load %arg9[%swap3A_437, %swap3A_438] {strides = array<i32>} : memref<400x64xf32, #tpu.memory_space<vmem>>, vector<1x16xf32>,
        %swap3A_440 = vector.shape_cast %swap3A_439 : vector<1x16xf32> to vector<16xf32>
        %swap3A_441 = vector.shape_cast %get3A_316 : vector<16xf32> to vector<1x16xf32>
        tpu.vector_store %arg9[%swap3A_437, %swap3A_438], %swap3A_441 {add = true, strides = array<i32>} : memref<400x64xf32, #tpu.memory_space<vmem>>, vector<1x16xf32>,
        %add3A_442 = arith.constant 200 : i32
        %add3A_443 = arith.addi %add3A_442, %scan3A_427 : i32
        %swap3A_444 = arith.index_cast %add3A_443 : i32 to index
        %swap3A_445 = arith.constant 32 : index
        %swap3A_446 = tpu.vector_load %arg9[%swap3A_444, %swap3A_445] {strides = array<i32>} : memref<400x64xf32, #tpu.memory_space<vmem>>, vector<1x16xf32>,
        %swap3A_447 = vector.shape_cast %swap3A_446 : vector<1x16xf32> to vector<16xf32>
        %swap3A_448 = vector.shape_cast %get3A_320 : vector<16xf32> to vector<1x16xf32>
        tpu.vector_store %arg9[%swap3A_444, %swap3A_445], %swap3A_448 {add = true, strides = array<i32>} : memref<400x64xf32, #tpu.memory_space<vmem>>, vector<1x16xf32>,
        %add3A_449 = arith.constant 200 : i32
        %add3A_450 = arith.addi %add3A_449, %scan3A_427 : i32
        %swap3A_451 = arith.index_cast %add3A_450 : i32 to index
        %swap3A_452 = arith.constant 48 : index
        %swap3A_453 = tpu.vector_load %arg9[%swap3A_451, %swap3A_452] {strides = array<i32>} : memref<400x64xf32, #tpu.memory_space<vmem>>, vector<1x16xf32>,
        %swap3A_454 = vector.shape_cast %swap3A_453 : vector<1x16xf32> to vector<16xf32>
        %swap3A_455 = vector.shape_cast %get3A_324 : vector<16xf32> to vector<1x16xf32>
        tpu.vector_store %arg9[%swap3A_451, %swap3A_452], %swap3A_455 {add = true, strides = array<i32>} : memref<400x64xf32, #tpu.memory_space<vmem>>, vector<1x16xf32>,
        %scan3A_456 = arith.constant 4 : i32
        %scan3A_457 = arith.addi %scan3A_338, %scan3A_456 : i32
        %add3A_458 = arith.constant 200 : i32
        %add3A_459 = arith.addi %add3A_458, %scan3A_457 : i32
        %swap3A_460 = arith.index_cast %add3A_459 : i32 to index
        %swap3A_461 = arith.constant 0 : index
        %swap3A_462 = tpu.vector_load %arg9[%swap3A_460, %swap3A_461] {strides = array<i32>} : memref<400x64xf32, #tpu.memory_space<vmem>>, vector<1x16xf32>,
        %swap3A_463 = vector.shape_cast %swap3A_462 : vector<1x16xf32> to vector<16xf32>
        %swap3A_464 = vector.shape_cast %get3A_312 : vector<16xf32> to vector<1x16xf32>
        tpu.vector_store %arg9[%swap3A_460, %swap3A_461], %swap3A_464 {add = true, strides = array<i32>} : memref<400x64xf32, #tpu.memory_space<vmem>>, vector<1x16xf32>,
        %add3A_465 = arith.constant 200 : i32
        %add3A_466 = arith.addi %add3A_465, %scan3A_457 : i32
        %swap3A_467 = arith.index_cast %add3A_466 : i32 to index
        %swap3A_468 = arith.constant 16 : index
        %swap3A_469 = tpu.vector_load %arg9[%swap3A_467, %swap3A_468] {strides = array<i32>} : memref<400x64xf32, #tpu.memory_space<vmem>>, vector<1x16xf32>,
        %swap3A_470 = vector.shape_cast %swap3A_469 : vector<1x16xf32> to vector<16xf32>
        %swap3A_471 = vector.shape_cast %get3A_316 : vector<16xf32> to vector<1x16xf32>
        tpu.vector_store %arg9[%swap3A_467, %swap3A_468], %swap3A_471 {add = true, strides = array<i32>} : memref<400x64xf32, #tpu.memory_space<vmem>>, vector<1x16xf32>,
        %add3A_472 = arith.constant 200 : i32
        %add3A_473 = arith.addi %add3A_472, %scan3A_457 : i32
        %swap3A_474 = arith.index_cast %add3A_473 : i32 to index
        %swap3A_475 = arith.constant 32 : index
        %swap3A_476 = tpu.vector_load %arg9[%swap3A_474, %swap3A_475] {strides = array<i32>} : memref<400x64xf32, #tpu.memory_space<vmem>>, vector<1x16xf32>,
        %swap3A_477 = vector.shape_cast %swap3A_476 : vector<1x16xf32> to vector<16xf32>
        %swap3A_478 = vector.shape_cast %get3A_320 : vector<16xf32> to vector<1x16xf32>
        tpu.vector_store %arg9[%swap3A_474, %swap3A_475], %swap3A_478 {add = true, strides = array<i32>} : memref<400x64xf32, #tpu.memory_space<vmem>>, vector<1x16xf32>,
        %add3A_479 = arith.constant 200 : i32
        %add3A_480 = arith.addi %add3A_479, %scan3A_457 : i32
        %swap3A_481 = arith.index_cast %add3A_480 : i32 to index
        %swap3A_482 = arith.constant 48 : index
        %swap3A_483 = tpu.vector_load %arg9[%swap3A_481, %swap3A_482] {strides = array<i32>} : memref<400x64xf32, #tpu.memory_space<vmem>>, vector<1x16xf32>,
        %swap3A_484 = vector.shape_cast %swap3A_483 : vector<1x16xf32> to vector<16xf32>
        %swap3A_485 = vector.shape_cast %get3A_324 : vector<16xf32> to vector<1x16xf32>
        tpu.vector_store %arg9[%swap3A_481, %swap3A_482], %swap3A_485 {add = true, strides = array<i32>} : memref<400x64xf32, #tpu.memory_space<vmem>>, vector<1x16xf32>,
        %scan3A_486 = arith.constant 5 : i32
        %scan3A_487 = arith.addi %scan3A_338, %scan3A_486 : i32
        %add3A_488 = arith.constant 200 : i32
        %add3A_489 = arith.addi %add3A_488, %scan3A_487 : i32
        %swap3A_490 = arith.index_cast %add3A_489 : i32 to index
        %swap3A_491 = arith.constant 0 : index
        %swap3A_492 = tpu.vector_load %arg9[%swap3A_490, %swap3A_491] {strides = array<i32>} : memref<400x64xf32, #tpu.memory_space<vmem>>, vector<1x16xf32>,
        %swap3A_493 = vector.shape_cast %swap3A_492 : vector<1x16xf32> to vector<16xf32>
        %swap3A_494 = vector.shape_cast %get3A_312 : vector<16xf32> to vector<1x16xf32>
        tpu.vector_store %arg9[%swap3A_490, %swap3A_491], %swap3A_494 {add = true, strides = array<i32>} : memref<400x64xf32, #tpu.memory_space<vmem>>, vector<1x16xf32>,
        %add3A_495 = arith.constant 200 : i32
        %add3A_496 = arith.addi %add3A_495, %scan3A_487 : i32
        %swap3A_497 = arith.index_cast %add3A_496 : i32 to index
        %swap3A_498 = arith.constant 16 : index
        %swap3A_499 = tpu.vector_load %arg9[%swap3A_497, %swap3A_498] {strides = array<i32>} : memref<400x64xf32, #tpu.memory_space<vmem>>, vector<1x16xf32>,
        %swap3A_500 = vector.shape_cast %swap3A_499 : vector<1x16xf32> to vector<16xf32>
        %swap3A_501 = vector.shape_cast %get3A_316 : vector<16xf32> to vector<1x16xf32>
        tpu.vector_store %arg9[%swap3A_497, %swap3A_498], %swap3A_501 {add = true, strides = array<i32>} : memref<400x64xf32, #tpu.memory_space<vmem>>, vector<1x16xf32>,
        %add3A_502 = arith.constant 200 : i32
        %add3A_503 = arith.addi %add3A_502, %scan3A_487 : i32
        %swap3A_504 = arith.index_cast %add3A_503 : i32 to index
        %swap3A_505 = arith.constant 32 : index
        %swap3A_506 = tpu.vector_load %arg9[%swap3A_504, %swap3A_505] {strides = array<i32>} : memref<400x64xf32, #tpu.memory_space<vmem>>, vector<1x16xf32>,
        %swap3A_507 = vector.shape_cast %swap3A_506 : vector<1x16xf32> to vector<16xf32>
        %swap3A_508 = vector.shape_cast %get3A_320 : vector<16xf32> to vector<1x16xf32>
        tpu.vector_store %arg9[%swap3A_504, %swap3A_505], %swap3A_508 {add = true, strides = array<i32>} : memref<400x64xf32, #tpu.memory_space<vmem>>, vector<1x16xf32>,
        %add3A_509 = arith.constant 200 : i32
        %add3A_510 = arith.addi %add3A_509, %scan3A_487 : i32
        %swap3A_511 = arith.index_cast %add3A_510 : i32 to index
        %swap3A_512 = arith.constant 48 : index
        %swap3A_513 = tpu.vector_load %arg9[%swap3A_511, %swap3A_512] {strides = array<i32>} : memref<400x64xf32, #tpu.memory_space<vmem>>, vector<1x16xf32>,
        %swap3A_514 = vector.shape_cast %swap3A_513 : vector<1x16xf32> to vector<16xf32>
        %swap3A_515 = vector.shape_cast %get3A_324 : vector<16xf32> to vector<1x16xf32>
        tpu.vector_store %arg9[%swap3A_511, %swap3A_512], %swap3A_515 {add = true, strides = array<i32>} : memref<400x64xf32, #tpu.memory_space<vmem>>, vector<1x16xf32>,
        %scan3A_516 = arith.constant 6 : i32
        %scan3A_517 = arith.addi %scan3A_338, %scan3A_516 : i32
        %add3A_518 = arith.constant 200 : i32
        %add3A_519 = arith.addi %add3A_518, %scan3A_517 : i32
        %swap3A_520 = arith.index_cast %add3A_519 : i32 to index
        %swap3A_521 = arith.constant 0 : index
        %swap3A_522 = tpu.vector_load %arg9[%swap3A_520, %swap3A_521] {strides = array<i32>} : memref<400x64xf32, #tpu.memory_space<vmem>>, vector<1x16xf32>,
        %swap3A_523 = vector.shape_cast %swap3A_522 : vector<1x16xf32> to vector<16xf32>
        %swap3A_524 = vector.shape_cast %get3A_312 : vector<16xf32> to vector<1x16xf32>
        tpu.vector_store %arg9[%swap3A_520, %swap3A_521], %swap3A_524 {add = true, strides = array<i32>} : memref<400x64xf32, #tpu.memory_space<vmem>>, vector<1x16xf32>,
        %add3A_525 = arith.constant 200 : i32
        %add3A_526 = arith.addi %add3A_525, %scan3A_517 : i32
        %swap3A_527 = arith.index_cast %add3A_526 : i32 to index
        %swap3A_528 = arith.constant 16 : index
        %swap3A_529 = tpu.vector_load %arg9[%swap3A_527, %swap3A_528] {strides = array<i32>} : memref<400x64xf32, #tpu.memory_space<vmem>>, vector<1x16xf32>,
        %swap3A_530 = vector.shape_cast %swap3A_529 : vector<1x16xf32> to vector<16xf32>
        %swap3A_531 = vector.shape_cast %get3A_316 : vector<16xf32> to vector<1x16xf32>
        tpu.vector_store %arg9[%swap3A_527, %swap3A_528], %swap3A_531 {add = true, strides = array<i32>} : memref<400x64xf32, #tpu.memory_space<vmem>>, vector<1x16xf32>,
        %add3A_532 = arith.constant 200 : i32
        %add3A_533 = arith.addi %add3A_532, %scan3A_517 : i32
        %swap3A_534 = arith.index_cast %add3A_533 : i32 to index
        %swap3A_535 = arith.constant 32 : index
        %swap3A_536 = tpu.vector_load %arg9[%swap3A_534, %swap3A_535] {strides = array<i32>} : memref<400x64xf32, #tpu.memory_space<vmem>>, vector<1x16xf32>,
        %swap3A_537 = vector.shape_cast %swap3A_536 : vector<1x16xf32> to vector<16xf32>
        %swap3A_538 = vector.shape_cast %get3A_320 : vector<16xf32> to vector<1x16xf32>
        tpu.vector_store %arg9[%swap3A_534, %swap3A_535], %swap3A_538 {add = true, strides = array<i32>} : memref<400x64xf32, #tpu.memory_space<vmem>>, vector<1x16xf32>,
        %add3A_539 = arith.constant 200 : i32
        %add3A_540 = arith.addi %add3A_539, %scan3A_517 : i32
        %swap3A_541 = arith.index_cast %add3A_540 : i32 to index
        %swap3A_542 = arith.constant 48 : index
        %swap3A_543 = tpu.vector_load %arg9[%swap3A_541, %swap3A_542] {strides = array<i32>} : memref<400x64xf32, #tpu.memory_space<vmem>>, vector<1x16xf32>,
        %swap3A_544 = vector.shape_cast %swap3A_543 : vector<1x16xf32> to vector<16xf32>
        %swap3A_545 = vector.shape_cast %get3A_324 : vector<16xf32> to vector<1x16xf32>
        tpu.vector_store %arg9[%swap3A_541, %swap3A_542], %swap3A_545 {add = true, strides = array<i32>} : memref<400x64xf32, #tpu.memory_space<vmem>>, vector<1x16xf32>,
        %scan3A_546 = arith.constant 7 : i32
        %scan3A_547 = arith.addi %scan3A_338, %scan3A_546 : i32
        %add3A_548 = arith.constant 200 : i32
        %add3A_549 = arith.addi %add3A_548, %scan3A_547 : i32
        %swap3A_550 = arith.index_cast %add3A_549 : i32 to index
        %swap3A_551 = arith.constant 0 : index
        %swap3A_552 = tpu.vector_load %arg9[%swap3A_550, %swap3A_551] {strides = array<i32>} : memref<400x64xf32, #tpu.memory_space<vmem>>, vector<1x16xf32>,
        %swap3A_553 = vector.shape_cast %swap3A_552 : vector<1x16xf32> to vector<16xf32>
        %swap3A_554 = vector.shape_cast %get3A_312 : vector<16xf32> to vector<1x16xf32>
        tpu.vector_store %arg9[%swap3A_550, %swap3A_551], %swap3A_554 {add = true, strides = array<i32>} : memref<400x64xf32, #tpu.memory_space<vmem>>, vector<1x16xf32>,
        %add3A_555 = arith.constant 200 : i32
        %add3A_556 = arith.addi %add3A_555, %scan3A_547 : i32
        %swap3A_557 = arith.index_cast %add3A_556 : i32 to index
        %swap3A_558 = arith.constant 16 : index
        %swap3A_559 = tpu.vector_load %arg9[%swap3A_557, %swap3A_558] {strides = array<i32>} : memref<400x64xf32, #tpu.memory_space<vmem>>, vector<1x16xf32>,
        %swap3A_560 = vector.shape_cast %swap3A_559 : vector<1x16xf32> to vector<16xf32>
        %swap3A_561 = vector.shape_cast %get3A_316 : vector<16xf32> to vector<1x16xf32>
        tpu.vector_store %arg9[%swap3A_557, %swap3A_558], %swap3A_561 {add = true, strides = array<i32>} : memref<400x64xf32, #tpu.memory_space<vmem>>, vector<1x16xf32>,
        %add3A_562 = arith.constant 200 : i32
        %add3A_563 = arith.addi %add3A_562, %scan3A_547 : i32
        %swap3A_564 = arith.index_cast %add3A_563 : i32 to index
        %swap3A_565 = arith.constant 32 : index
        %swap3A_566 = tpu.vector_load %arg9[%swap3A_564, %swap3A_565] {strides = array<i32>} : memref<400x64xf32, #tpu.memory_space<vmem>>, vector<1x16xf32>,
        %swap3A_567 = vector.shape_cast %swap3A_566 : vector<1x16xf32> to vector<16xf32>
        %swap3A_568 = vector.shape_cast %get3A_320 : vector<16xf32> to vector<1x16xf32>
        tpu.vector_store %arg9[%swap3A_564, %swap3A_565], %swap3A_568 {add = true, strides = array<i32>} : memref<400x64xf32, #tpu.memory_space<vmem>>, vector<1x16xf32>,
        %add3A_569 = arith.constant 200 : i32
        %add3A_570 = arith.addi %add3A_569, %scan3A_547 : i32
        %swap3A_571 = arith.index_cast %add3A_570 : i32 to index
        %swap3A_572 = arith.constant 48 : index
        %swap3A_573 = tpu.vector_load %arg9[%swap3A_571, %swap3A_572] {strides = array<i32>} : memref<400x64xf32, #tpu.memory_space<vmem>>, vector<1x16xf32>,
        %swap3A_574 = vector.shape_cast %swap3A_573 : vector<1x16xf32> to vector<16xf32>
        %swap3A_575 = vector.shape_cast %get3A_324 : vector<16xf32> to vector<1x16xf32>
        tpu.vector_store %arg9[%swap3A_571, %swap3A_572], %swap3A_575 {add = true, strides = array<i32>} : memref<400x64xf32, #tpu.memory_space<vmem>>, vector<1x16xf32>,
      }
      %scan3A_330 = arith.constant 200 : i32
      %mul3A_331 = arith.constant 400 : i32
      %mul3A_332 = arith.muli %add3A_58, %mul3A_331 : i32
      %add3A_333 = arith.addi %mul3A_2, %mul3A_332 : i32
      %dma_start3A_334 = arith.constant 0 : i32
      %dma_start3A_335 = tpu.memref_slice %arg5[%add3A_333, %dma_start3A_334] : memref<819200x64xf32, #tpu.memory_space<hbm>> -> memref<400x64xf32, #tpu.memory_space<hbm>>
      %dma_start3A_336 = arith.constant 0 : i32
      %dma_start3A_337 = tpu.memref_slice %arg5[%add3A_333, %dma_start3A_336] : memref<819200x64xf32, #tpu.memory_space<hbm>> -> memref<400x64xf32, #tpu.memory_space<hbm>>
      tpu.enqueue_dma source(%arg9 : memref<400x64xf32, #tpu.memory_space<vmem>>) target(%dma_start3A_337 : memref<400x64xf32, #tpu.memory_space<hbm>>) target_semaphore(%arg13 : memref<!tpu.dma_semaphore, #tpu.memory_space<semaphore_mem>>)
    }
    %scan3A_46 = arith.constant 32 : i32
    %dma_wait3A = arith.constant 0 : i32
    %dma_wait3A_47 = tpu.memref_slice %arg5[%mul3A_2, %dma_wait3A] : memref<819200x64xf32, #tpu.memory_space<hbm>> -> memref<400x64xf32, #tpu.memory_space<hbm>>
    %dma_wait3A_48 = arith.constant 0 : i32
    %dma_wait3A_49 = tpu.memref_slice %arg5[%mul3A_2, %dma_wait3A_48] : memref<819200x64xf32, #tpu.memory_space<hbm>> -> memref<400x64xf32, #tpu.memory_space<hbm>>
    tpu.wait_dma2 semaphore(%arg12 : memref<!tpu.dma_semaphore, #tpu.memory_space<semaphore_mem>>) src(%arg8 : memref<400x64xf32, #tpu.memory_space<vmem>>) dst(%dma_wait3A_49 : memref<400x64xf32, #tpu.memory_space<hbm>>)
    %dma_wait3A_50 = arith.constant 0 : i32
    %dma_wait3A_51 = tpu.memref_slice %arg5[%mul3A_2, %dma_wait3A_50] : memref<819200x64xf32, #tpu.memory_space<hbm>> -> memref<400x64xf32, #tpu.memory_space<hbm>>
    %dma_wait3A_52 = arith.constant 0 : i32
    %dma_wait3A_53 = tpu.memref_slice %arg5[%mul3A_2, %dma_wait3A_52] : memref<819200x64xf32, #tpu.memory_space<hbm>> -> memref<400x64xf32, #tpu.memory_space<hbm>>
    tpu.wait_dma2 semaphore(%arg13 : memref<!tpu.dma_semaphore, #tpu.memory_space<semaphore_mem>>) src(%arg9 : memref<400x64xf32, #tpu.memory_space<vmem>>) dst(%dma_wait3A_53 : memref<400x64xf32, #tpu.memory_space<hbm>>)
    return
  }
}

module attributes {stable_mosaic.version = 14 : i64} {
  func.func @_sig_body(%arg0: memref<4096x5xf32, #tpu.memory_space<vmem>>, %arg1: memref<64x5xf32, #tpu.memory_space<vmem>>, %arg2: memref<1x64xf32, #tpu.memory_space<vmem>>, %arg3: memref<4096x64xf32, #tpu.memory_space<vmem>>) attributes {dimension_semantics = [], scalar_prefetch = 0 : i64, scratch_operands = 0 : i64, tpu.core_type = #tpu.core_type<tc>} {
    %get3A = arith.constant 0 : index
    %get3A_0 = arith.constant 0 : index
    %get3A_1 = vector.load %arg0[%get3A, %get3A_0] : memref<4096x5xf32, #tpu.memory_space<vmem>>, vector<4096x5xf32>
    %get3A_2 = arith.constant 0 : index
    %get3A_3 = arith.constant 0 : index
    %get3A_4 = vector.load %arg1[%get3A_2, %get3A_3] : memref<64x5xf32, #tpu.memory_space<vmem>>, vector<64x5xf32>
    %transpose3A = tpu.transpose %get3A_4, [1, 0] : vector<64x5xf32> -> vector<5x64xf32>
    %dot_general3A = arith.constant dense<0.000000e+00> : vector<4096x64xf32>
    %dot_general3A_5 = tpu.matmul %get3A_1, %transpose3A, %dot_general3A {dimension_numbers = #tpu.dot_dimension_numbers<[1], [0], [0], [1], [0, 0, 1, 1], [], []>, transpose_lhs_hint = false} : vector<4096x5xf32>, vector<5x64xf32>, vector<4096x64xf32> -> vector<4096x64xf32>
    %get3A_6 = arith.constant 0 : index
    %get3A_7 = arith.constant 0 : index
    %get3A_8 = vector.load %arg2[%get3A_6, %get3A_7] : memref<1x64xf32, #tpu.memory_space<vmem>>, vector<1x64xf32>
    %add3A = vector.broadcast %get3A_8 : vector<1x64xf32> to vector<4096x64xf32>
    %add3A_9 = arith.addf %dot_general3A_5, %add3A : vector<4096x64xf32>
    %swap3A = arith.constant 0 : index
    %swap3A_10 = arith.constant 0 : index
    %swap3A_11 = vector.load %arg3[%swap3A, %swap3A_10] : memref<4096x64xf32, #tpu.memory_space<vmem>>, vector<4096x64xf32>
    tpu.vector_store %arg3[%swap3A, %swap3A_10], %add3A_9 {strides = array<i32>} : memref<4096x64xf32, #tpu.memory_space<vmem>>, vector<4096x64xf32>,
    return
  }
}

</mosaic_0001>

<sc_bundles>
// kernel: kernel.4.cloned.1.call-start
scs
__scs_entry_jumppad:
0x0: {  	(pc) =	sbr.rel $0x88, $3  }
0x1: {  	(tag) =	ssettag $0x0;
	lr =	simm.s32 $0x1  }
0x2: {  	[smem:$0x3F9C] =	sst lr;
	_ =	strace $0xD0000000  }
0x3: {  	_ = 	snop  }
0x4: {  	_ = 	snop  }
0x5: {  	_ = 	snop  }
0x6: {  	_ = 	snop  }
0x7: {  	_ = 	snop  }
__scs_overlays_trampoline_lowered:
0x8: {  	[smem:$0x3FAB] =	sst s0  }
0x9: {  	[smem:$0x3FAC] =	sst s1  }
0xa: {  	[smem:$0x3FAD] =	sst s2  }
0xb: {  	[smem:$0x3FAE] =	sst s3  }
0xc: {  	[smem:$0x3FAF] =	sst s4  }
0xd: {  	[smem:$0x3FB0] =	sst s5  }
0xe: {  	[smem:$0x3FB1] =	sst s6  }
0xf: {  	[smem:$0x3FB2] =	sst s7  }
0x10: {  	[smem:$0x3FB3] =	sst s8  }
0x11: {  	[smem:$0x3FB4] =	sst s9;
	s0 =	simm.s32 @!p0 $0x0  }
0x12: {  	s1 =	sld [smem:$0x3F9A];
	s0 =	simm.s32 @p0 $0x1  }
0x13: {  	[smem:$0x3FB5] =	sst s0;
	s0 =	simm.s32 @!p1 $0x0  }
0x14: {  	s2 =	sld [smem:$0x3F99];
	s0 =	simm.s32 @p1 $0x1  }
0x15: {  	[smem:$0x3FB6] =	sst s0;
	s0 =	simm.s32 @!p2 $0x0  }
0x16: {  	s3 =	sld [smem:$0x3FDB];
	s0 =	simm.s32 @p2 $0x1  }
0x17: {  	s4 =	simm.s32 $0x1BF5;
	[smem:$0x3FB8] =	sst s0  }
0x18: {  	s0 =	sld [smem:$0x3F9B];
	_ =	swait.ge [sflag:s4], $0x0  }
0x19: {  	s7 =	sld [smem:$0x3F9C]  }
0x1a: {  	s8 =	sadd.s32 $0xFFFFE003, lr  }
0x1b: {  	s9 =	sadd.s32 $0xFFFFFEF7, lr;
	s5 =	simm.s32 $0xFFFFFFFF;
	p2 =	slt.u32 s8, $0xFFFFF086  }
0x1c: {  	p1 =	slt.u32 s9, $0xF7A;
	s5 =	simm.s32 @!p2 $0x0  }
0x1d: {  	s5 =	simm.s32 @p1 $0x1;
	p0 =	seq.s32 s7, s2  }
0x1e: {  	s7 =	smul.u32 @!p0 $0xF7A, s2;
	p2 =	seq.s32 @!p0 s5, $0x0  }
0x1f: {  	s9 =	smul.u32 $0xF7A, s1;
	s8 =	simm.s32 @!p0 $0x1BF5;
	p2 =	por !p2, p0  }
0x20: {  	[sflag:s8] =	ssyncset.s32 @!p0 $0xFFFFF086;
	s6 =	sadd.s32 @!p0 s3, s7;
	s7 =	simm.s32 @!p0 $0x108  }
0x21: {  	s3 =	sadd.s32 s3, s9;
	s6 =	sadd.s32 @!p0 $0x88, s6;
	s7 =	simm.s32 @p2 $0x1082  }
0x22: {  	[simem:s7], [sflag:s8] =	dma.local @!p0 [hbm:s6], $0xF7A  }
0x23: {  	s9 =	sor.u32 $0xD0000000, s2;
	s6 =	simm.s32 $0x108;
	_ =	swait.ge @!p0 [sflag:s8], $0x0  }
0x24: {  	s3 =	sadd.s32 $0x88, s3;
	s6 =	simm.s32 @!p1 $0x1082;
	[sflag:s4] =	ssyncset.s32 $0xFFFFF086  }
0x25: {  	[simem:s6], [sflag:s4] =	dma.local [hbm:s3], $0xF7A  }
0x26: {  	[smem:$0x3F9C] =	sst s1;
	(tag) =	ssettag s2;
	_ =	strace s9  }
0x27: {  	s1 =	sld [smem:$0x3FAC]  }
0x28: {  	s2 =	sld [smem:$0x3FAD]  }
0x29: {  	s4 =	sld [smem:$0x3FAF]  }
0x2a: {  	p0 =	seq.s32 s5, $0x0;
	s5 =	sld [smem:$0x3FB0]  }
0x2b: {  	s6 =	sld [smem:$0x3FB1]  }
0x2c: {  	s7 =	sld [smem:$0x3FB2]  }
0x2d: {  	s3 =	simm.s32 $0x108;
	s8 =	sld [smem:$0x3FB3]  }
0x2e: {  	s3 =	simm.s32 @!p0 $0x1082;
	s9 =	sld [smem:$0x3FB4]  }
0x2f: {  	lr =	sadd.s32 s0, s3;
	s0 =	sld [smem:$0x3FAB]  }
0x30: {  	s3 =	sld [smem:$0x3FAE]  }
0x31: {  	[smem:$0x3FB7] =	sst s10  }
0x32: {  	s10 =	sld [smem:$0x3FB5];
	_ =	sdelay $0x3  }
0x33: {  	p0 =	seq.s32 s10, $0x1;
	s10 =	sld [smem:$0x3FB7];
	_ =	sdelay $0x3  }
0x34: {  	[smem:$0x3FB7] =	sst s10  }
0x35: {  	s10 =	sld [smem:$0x3FB6];
	_ =	sdelay $0x3  }
0x36: {  	p1 =	seq.s32 s10, $0x1;
	s10 =	sld [smem:$0x3FB7];
	_ =	sdelay $0x3  }
0x37: {  	[smem:$0x3FB7] =	sst s10  }
0x38: {  	s10 =	sld [smem:$0x3FB8]  }
0x39: {  	_ = 	snop;
	(pc) =	sbr.ind lr, $3  }
0x3a: {  	_ = 	snop  }
0x3b: {  	_ = 	snop  }
0x3c: {  	p2 =	seq.s32 s10, $0x1;
	s10 =	sld [smem:$0x3FB7]  }
0x3d: {  	_ =	shalt  }
0x3e: {  	_ =	shalt  }
0x3f: {  	_ =	shalt  }
0x40: {  	_ =	shalt  }
0x41: {  	_ =	shalt  }
0x42: {  	_ =	shalt  }
0x43: {  	_ =	shalt  }
0x44: {  	_ =	shalt  }
0x45: {  	_ =	shalt  }
0x46: {  	_ =	shalt  }
0x47: {  	_ =	shalt  }
0x48: {  	_ =	shalt  }
0x49: {  	_ =	shalt  }
0x4a: {  	_ =	shalt  }
0x4b: {  	_ =	shalt  }
0x4c: {  	_ =	shalt  }
0x4d: {  	_ =	shalt  }
0x4e: {  	_ =	shalt  }
0x4f: {  	_ =	shalt  }
0x50: {  	_ =	shalt  }
0x51: {  	_ =	shalt  }
0x52: {  	_ =	shalt  }
0x53: {  	_ =	shalt  }
0x54: {  	_ =	shalt  }
0x55: {  	_ =	shalt  }
0x56: {  	_ =	shalt  }
0x57: {  	_ =	shalt  }
0x58: {  	_ =	shalt  }
0x59: {  	_ =	shalt  }
0x5a: {  	_ =	shalt  }
0x5b: {  	_ =	shalt  }
0x5c: {  	_ =	shalt  }
0x5d: {  	_ =	shalt  }
0x5e: {  	_ =	shalt  }
0x5f: {  	_ =	shalt  }
0x60: {  	_ =	shalt  }
0x61: {  	_ =	shalt  }
0x62: {  	_ =	shalt  }
0x63: {  	_ =	shalt  }
0x64: {  	_ =	shalt  }
0x65: {  	_ =	shalt  }
0x66: {  	_ =	shalt  }
0x67: {  	_ =	shalt  }
0x68: {  	_ =	shalt  }
0x69: {  	_ =	shalt  }
0x6a: {  	_ =	shalt  }
0x6b: {  	_ =	shalt  }
0x6c: {  	_ =	shalt  }
0x6d: {  	_ =	shalt  }
0x6e: {  	_ =	shalt  }
0x6f: {  	_ =	shalt  }
0x70: {  	_ =	shalt  }
0x71: {  	_ =	shalt  }
0x72: {  	_ =	shalt  }
0x73: {  	_ =	shalt  }
0x74: {  	_ =	shalt  }
0x75: {  	_ =	shalt  }
0x76: {  	_ =	shalt  }
0x77: {  	_ =	shalt  }
0x78: {  	_ =	shalt  }
0x79: {  	_ =	shalt  }
0x7a: {  	_ =	shalt  }
0x7b: {  	_ =	shalt  }
0x7c: {  	_ =	shalt  }
0x7d: {  	_ =	shalt  }
0x7e: {  	_ =	shalt  }
0x7f: {  	_ =	shalt  }
0x80: {  	_ =	shalt  }
0x81: {  	_ =	shalt  }
0x82: {  	_ =	shalt  }
0x83: {  	_ =	shalt  }
0x84: {  	_ =	shalt  }
0x85: {  	_ =	shalt  }
0x86: {  	_ =	shalt  }
0x87: {  	_ =	shalt  }
.Lfunc_end0:
.L_simem_size_0:
called_computation.1_lowered:
.L_overlay_start_0:
0x88: {  	s2 =	sld [smem:$0x3FD9]  }
0x89: {  	s3 =	sld [smem:$0x3FFE];
	_ =	sdelay $0x1  }
0x8a: {  	s1 =	srdreg.scid  }
0x8b: {  	s0 =	sand.u32 $0x1, s1  }
0x8c: {  	s17 =	sshll.u32 s0, $0xA;
	s2 =	sadd.s32 s3, s2  }
0x8d: {  	s2 =	sadd.s32 s2, s17  }
0x8e: {  	[smem:$0x3FC3] =	sst s2  }
0x8f: {  	_ = 	snop  }
0x90: {  	s2 =	sld [smem:$0x3FD0];
	(tm) =	ssettm $0x1  }
0x91: {  	s18 =	sld [smem:$0x3FFB];
	_ =	sdelay $0x3  }
0x92: {  	_ =	strace s18  }
0x93: {  	s3 =	sld [smem:$0x3FFC];
	_ =	sdelay $0x3  }
0x94: {  	_ =	strace s3  }
0x95: {  	s3 =	sld [smem:$0x3FFD];
	_ =	sdelay $0x3  }
0x96: {  	_ =	strace s3  }
0x97: {  	_ =	strace $0x8FFFFFFF  }
0x98: {  	s19 =	sld [smem:$0x3FDB];
	_ =	sdelay $0x1  }
0x99: {  	s4 =	simm.s32 $_scs_section_size  }
0x9a: {  	s5 =	simm.s32 $_size__tile_overlayer_lowered;
	s6 =	simm.s32 $_tile_overlayer_lowered  }
0x9b: {  	s22 =	simm.s32 $0x1BFF;
	s21 =	sshll.u32 s6, $0x1;
	s3 =	sadd.s32 s4, s19  }
0x9c: {  	s7 =	simm.s32 $0x0;
	s20 =	sshll.u32 s5, $0x1;
	s5 =	sadd.s32 s21, s3  }
0x9d: {  	[timem:s7], [sflag:s22] =	dma.local [hbm:s5], s20  }
0x9e: {  	_ =	swait.ge [sflag:s22], s20  }
0x9f: {  	s4 =	ssub.s32 $0x0, s20;
	[sflag:s22] =	ssyncset.done $0x0  }
0xa0: {  	[sflag:s22] =	ssyncadd.s32 s4;
	_ =	sdelay $0x1  }
0xa1: {  	s23 =	simm.s32 $0x1B8B  }
0xa2: {  	_ =	swait.ge [sflag:s23], $0x1  }
0xa3: {  	[sflag:s23] =	ssyncset.done $0x0  }
0xa4: {  	s25 =	simm.s32 $0x1B8E;
	s24 =	sld [smem:$0x3FFE];
	[sflag:s23] =	ssyncadd.s32 $0xFFFFFFFF  }
0xa5: {  	s26 =	simm.s32 $execute0_lowered;
	[smem:$0x3FD2] =	sst s25  }
0xa6: {  	s5 =	sshll.u32 s26, $0x1;
	_ =	strace $0x80000046;
	[dreg:$0x1] =	wrdreg $0xFFFFFFFF  }
0xa7: {  	s28 =	simm.s32 $_size_execute0_lowered;
	s3 =	sadd.s32 s3, s5;
	[dreg:$0x0] =	wrdreg $0x0  }
0xa8: {  	s5 =	sshll.u32 s28, $0x1;
	[dreg:$0x2] =	wrdreg s3  }
0xa9: {  	[dreg:$0x3] =	wrdreg s5  }
0xaa: {  	[dreg:$0x4] =	wrdreg $0xC0  }
0xab: {  	_ =	task [dreg:s7], $0x5FFFF  }
0xac: {  	[dreg:$0x1] =	wrdreg $0xFFFFFFFF  }
0xad: {  	[dreg:$0x0] =	wrdreg $0x60  }
0xae: {  	[dreg:$0x2] =	wrdreg s24  }
0xaf: {  	[dreg:$0x3] =	wrdreg s2  }
0xb0: {  	[dreg:$0x4] =	wrdreg $0x9  }
0xb1: {  	_ =	task.clear_ibuf [dreg:s7], $0x5FFFF;
	_ =	strace $0x90000046  }
0xb2: {  	s29 =	simm.s32 $0x9;
	_ =	strace $0x80000048  }
0xb3: {  	_ =	swait.ge [sflag:s29], $0x1  }
0xb4: {  	[sflag:s29] =	ssyncadd.s32 $0xFFFFFFFF  }
0xb5: {  	_ =	strace $0x90000048  }
0xb6: {  	_ =	sfence  }
0xb7: {  	s30 =	sld [smem:$0x0];
	_ =	sdelay $0x2  }
0xb8: {  	s31 =	sshll.u32 s1, $0xD;
	s1 =	sshrl.u32 s1, $0x2  }
0xb9: {  	s3 =	sand.u32 $0x4000, s31;
	s1 =	sadd.s32 s1, s30  }
0xba: {  	s0 =	sor.u32 s3, s0;
	s1 =	sshll.u32 s1, $0x11  }
0xbb: {  	s0 =	sor.u32 s1, s0  }
0xbc: {  	s0 =	sadd.s32 $0x8F2B, s0  }
0xbd: {  	[sflag:s0] =	ssyncadd.remote.s32 $0x1  }
0xbe: {  	_ =	sfence.sel $0xFFFF  }
0xbf: {  	[dreg:$0x0] =	wrdreg $0xFFFFFFFF;
	(pc) =	sbr.abs _section_cstart, $3  }
0xc0: {  	[dreg:$0x1] =	wrdreg $0xFFFFFFFF  }
0xc1: {  	_ =	task.clear_ibuf [dreg:s7], $0x2FFFF;
	_ =	strace $0x9FFFFFFF  }
0xc2: {  	(tm) =	ssettm $0x7FFFFFFF  }
0xc3: {  	_ =	shalt  }
tec
execute0_lowered:
.L_overlay_start_1:
0x0: {  	(tag) =	ssettag $0x1  }
0x1: {  	s0 =	rddreg [dreg:$0x0];
	s1 =	srdreg.scid  }
0x2: {  	s3 =	stileid.u32;
	s2 =	rddreg [dreg:$0x1]  }
0x3: {  	s9 =	simm.s32 $0x5;
	s11 =	simm.s32 $0x64;
	s12 =	simm.s32 $0x8800  }
0x4: {  	s13 =	simm.s32 $0x68;
	s14 =	simm.s32 $0xA100;
	s15 =	simm.s32 $0xD0  }
0x5: {  	s16 =	simm.s32 $0xBA00;
	s17 =	simm.s32 $0x138;
	s18 =	simm.s32 $0xD300  }
0x6: {  	s19 =	simm.s32 $0xEC00;
	s20 =	simm.s32 $0x10500;
	s21 =	simm.s32 $0x11E00  }
0x7: {  	s22 =	simm.s32 $0x13700;
	s23 =	simm.s32 $0x1;
	s24 =	simm.s32 $0x2  }
0x8: {  	s25 =	simm.s32 $0x3;
	s26 =	simm.s32 $0x4;
	s28 =	simm.s32 $0x0  }
0x9: {  	s1 =	sand.u32 $0x1, s1;
	s4 =	sshll.u32 s3, $0x1;
	s3 =	simm.s32 $0x0  }
0xa: {  	s5 =	sor.u32 s1, s4;
	[smem:$0x7FF] =	sst s3;
	s1 =	ssub.s32 $0x2, s1  }
0xb: {  	s4 =	smul.u32 $0xD00, s5;
	_ =	strace $0x80000047;
	s30 =	sshll.u32 s5, $0xA  }
0xc: {  	s31 =	sshrl.u32 s1, $0x1;
	s5 =	smul.u32 $0x6400, s5;
	s7 =	sadd.s32 s30, s0  }
0xd: {  	s6 =	sadd.s32 s4, s0;
	s4 =	sadd.s32 $0xF43400, s0;
	s0 =	ssub.s32 s1, s31  }
0xe: {  	s7 =	sadd.s32 $0x1B000, s7;
	s6 =	sadd.s32 $0x1000, s6;
	s8 =	smax.u32 s0, $0x1  }
.LBB2_1:
0xf: {  	[tilespmem:s3], [sflag:$0x5] =	stream.linear.gather [hbm4b:s6+s3], $0x6800, $0x38;
	[tilespmem:$0x15000] =	vst v63  }
0x10: {  	_ =	swait.ge [sflag:s9], $0x6800  }
0x11: {  	[sflag:s9] =	ssyncset.done $0x0  }
0x12: {  	s0 =	simm.s32 $0x6800;
	[sflag:s9] =	ssyncadd.s32 $0xFFFF9800  }
0x13: {  	[tilespmem:s0], [sflag:$0x5] =	stream.linear.gather [hbm4b:s7+s3], $0x2000, $0x38;
	[tilespmem:$0x15000] =	vst v63  }
0x14: {  	_ =	swait.ge [sflag:s9], $0x2000  }
0x15: {  	[sflag:s9] =	ssyncset.done $0x0  }
0x16: {  	[sflag:s9] =	ssyncadd.s32 $0xFFFFE000  }
0x17: {  	[tilespmem:s12], [sflag:$0x1] =	stream.indirect.gather [hbm4b:s4+s11], $0x40, s3, s11, $0xb8;
	[tilespmem:$0x15000] =	vst v63  }
0x18: {  	_ = 	snop  }
0x19: {  	[tilespmem:s14], [sflag:$0x1] =	stream.indirect.gather [hbm4b:s4+s11], $0x40, s13, s11, $0xb8;
	[tilespmem:$0x15000] =	vst v63  }
0x1a: {  	_ = 	snop  }
0x1b: {  	[tilespmem:s16], [sflag:$0x1] =	stream.indirect.gather [hbm4b:s4+s11], $0x40, s15, s11, $0xb8;
	[tilespmem:$0x15000] =	vst v63  }
0x1c: {  	s29 =	simm.s32 $0x0  }
0x1d: {  	[tilespmem:s18], [sflag:$0x1] =	stream.indirect.gather [hbm4b:s4+s11], $0x40, s17, s11, $0xb8;
	[tilespmem:$0x15000] =	vst v63  }
.LBB2_2:
0x1e: {  	p0 =	seq.s32 s29, $0x0  }
0x1f: {  	s30 =	sshllo.u32 s29, $0x1;
	s0 =	simm.s32 @!p0 $0x4  }
0x20: {  	s1 =	smul.u32 $0x680, s30;
	_ =	swait.ge @!p0 [sflag:s0], $0x6400  }
0x21: {  	[sflag:s0] =	ssyncset.done @!p0 $0x0  }
0x22: {  	[sflag:s0] =	ssyncadd.s32 @!p0 $0xFFFF9C00;
	s0 =	sshra.s32 s1, $0x2  }
0x23: {  	[tilespmem:s19], [sflag:$0x2] =	stream.indirect.gather [hbm4b:s4+s11], $0x40, s0, s11, $0xb8;
	[tilespmem:$0x15000] =	vst v63  }
0x24: {  	s1 =	sadd.s32 $0x68, s0  }
0x25: {  	[tilespmem:s20], [sflag:$0x2] =	stream.indirect.gather [hbm4b:s4+s11], $0x40, s1, s11, $0xb8;
	[tilespmem:$0x15000] =	vst v63  }
0x26: {  	s10 =	sadd.s32 $0xD0, s0  }
0x27: {  	[tilespmem:s21], [sflag:$0x2] =	stream.indirect.gather [hbm4b:s4+s11], $0x40, s10, s11, $0xb8;
	[tilespmem:$0x15000] =	vst v63  }
0x28: {  	s0 =	sadd.s32 $0x138, s0  }
0x29: {  	[tilespmem:s22], [sflag:$0x2] =	stream.indirect.gather [hbm4b:s4+s11], $0x40, s0, s11, $0xb8;
	[tilespmem:$0x15000] =	vst v63  }
0x2a: {  	_ =	swait.ge [sflag:s23], $0x1900  }
0x2b: {  	[sflag:s23] =	ssyncset.done $0x0  }
0x2c: {  	[sflag:s23] =	ssyncadd.s32 $0xFFFFE700  }
0x2d: {  	_ =	swait.ge [sflag:s23], $0x1900  }
0x2e: {  	[sflag:s23] =	ssyncset.done $0x0  }
0x2f: {  	[sflag:s23] =	ssyncadd.s32 $0xFFFFE700  }
0x30: {  	_ =	swait.ge [sflag:s23], $0x1900  }
0x31: {  	[sflag:s23] =	ssyncset.done $0x0  }
0x32: {  	[sflag:s23] =	ssyncadd.s32 $0xFFFFE700  }
0x33: {  	_ =	swait.ge [sflag:s23], $0x1900  }
0x34: {  	s10 =	sshll.u32 s29, $0x8;
	[sflag:s23] =	ssyncset.done $0x0  }
0x35: {  	s31 =	sand.u32 $0x3FFFFF00, s10;
	[sflag:s23] =	ssyncadd.s32 $0xFFFFE700  }
0x36: {  	v0 =	vld [tilespmem:s31+$0x6800]  }
0x37: {  	v1 =	vld [tilespmem:s31+$0x6830]  }
0x38: {  	v3 =	vld [tilespmem:s31+$0x6820]  }
0x39: {  	v2 =	vld [tilespmem:s31+$0x6810]  }
0x3a: {  	s1 =	simm.s32 $0x8800  }
0x3b: {  	[tilespmem:s1+$0x0] =	vst.add.f32.msk $0xffff, v0  }
0x3c: {  	[tilespmem:s1+$0x1F0] =	vst.add.f32.msk $0xffff, v1  }
0x3d: {  	[tilespmem:s1+$0x1E0] =	vst.add.f32.msk $0xffff, v3  }
0x3e: {  	[tilespmem:s1+$0x1D0] =	vst.add.f32.msk $0xffff, v2  }
0x3f: {  	[tilespmem:s1+$0x1C0] =	vst.add.f32.msk $0xffff, v0  }
0x40: {  	[tilespmem:s1+$0x1B0] =	vst.add.f32.msk $0xffff, v1  }
0x41: {  	[tilespmem:s1+$0x1A0] =	vst.add.f32.msk $0xffff, v3  }
0x42: {  	[tilespmem:s1+$0x190] =	vst.add.f32.msk $0xffff, v2  }
0x43: {  	[tilespmem:s1+$0x180] =	vst.add.f32.msk $0xffff, v0  }
0x44: {  	[tilespmem:s1+$0x170] =	vst.add.f32.msk $0xffff, v1  }
0x45: {  	[tilespmem:s1+$0x160] =	vst.add.f32.msk $0xffff, v3  }
0x46: {  	[tilespmem:s1+$0x150] =	vst.add.f32.msk $0xffff, v2  }
0x47: {  	[tilespmem:s1+$0x140] =	vst.add.f32.msk $0xffff, v0  }
0x48: {  	[tilespmem:s1+$0x130] =	vst.add.f32.msk $0xffff, v1  }
0x49: {  	[tilespmem:s1+$0x120] =	vst.add.f32.msk $0xffff, v3  }
0x4a: {  	[tilespmem:s1+$0x110] =	vst.add.f32.msk $0xffff, v2  }
0x4b: {  	[tilespmem:s1+$0x100] =	vst.add.f32.msk $0xffff, v0  }
0x4c: {  	[tilespmem:s1+$0xF0] =	vst.add.f32.msk $0xffff, v1  }
0x4d: {  	[tilespmem:s1+$0xE0] =	vst.add.f32.msk $0xffff, v3  }
0x4e: {  	[tilespmem:s1+$0xD0] =	vst.add.f32.msk $0xffff, v2  }
0x4f: {  	[tilespmem:s1+$0xC0] =	vst.add.f32.msk $0xffff, v0  }
0x50: {  	[tilespmem:s1+$0xB0] =	vst.add.f32.msk $0xffff, v1  }
0x51: {  	[tilespmem:s1+$0xA0] =	vst.add.f32.msk $0xffff, v3  }
0x52: {  	[tilespmem:s1+$0x90] =	vst.add.f32.msk $0xffff, v2  }
0x53: {  	[tilespmem:s1+$0x80] =	vst.add.f32.msk $0xffff, v0  }
0x54: {  	[tilespmem:s1+$0x70] =	vst.add.f32.msk $0xffff, v1  }
0x55: {  	[tilespmem:s1+$0x60] =	vst.add.f32.msk $0xffff, v3  }
0x56: {  	[tilespmem:s1+$0x50] =	vst.add.f32.msk $0xffff, v2  }
0x57: {  	[tilespmem:s1+$0x40] =	vst.add.f32.msk $0xffff, v0  }
0x58: {  	[tilespmem:s1+$0x30] =	vst.add.f32.msk $0xffff, v1  }
0x59: {  	s0 =	simm.s32 $0x0;
	[tilespmem:s1+$0x20] =	vst.add.f32.msk $0xffff, v3  }
.LBB2_3:
0x5a: {  	s0 =	sadd.s32 $0x8, s0;
	[tilespmem:s1+$0x10] =	vst.add.f32.msk $0xffff, v2;
	s1 =	sadd.s32 $0x200, s1  }
0x5b: {  	[tilespmem:s1+$0x0] =	vst.add.f32.msk $0xffff, v0;
	p0 =	slt.u32 s0, $0xC0  }
0x5c: {  	[tilespmem:s1+$0x1F0] =	vst.add.f32.msk $0xffff, v1  }
0x5d: {  	[tilespmem:s1+$0x1E0] =	vst.add.f32.msk $0xffff, v3  }
0x5e: {  	[tilespmem:s1+$0x1D0] =	vst.add.f32.msk $0xffff, v2  }
0x5f: {  	[tilespmem:s1+$0x1C0] =	vst.add.f32.msk $0xffff, v0  }
0x60: {  	[tilespmem:s1+$0x1B0] =	vst.add.f32.msk $0xffff, v1  }
0x61: {  	[tilespmem:s1+$0x1A0] =	vst.add.f32.msk $0xffff, v3  }
0x62: {  	[tilespmem:s1+$0x190] =	vst.add.f32.msk $0xffff, v2  }
0x63: {  	[tilespmem:s1+$0x180] =	vst.add.f32.msk $0xffff, v0  }
0x64: {  	[tilespmem:s1+$0x170] =	vst.add.f32.msk $0xffff, v1  }
0x65: {  	[tilespmem:s1+$0x160] =	vst.add.f32.msk $0xffff, v3  }
0x66: {  	[tilespmem:s1+$0x150] =	vst.add.f32.msk $0xffff, v2  }
0x67: {  	[tilespmem:s1+$0x140] =	vst.add.f32.msk $0xffff, v0  }
0x68: {  	[tilespmem:s1+$0x130] =	vst.add.f32.msk $0xffff, v1  }
0x69: {  	[tilespmem:s1+$0x120] =	vst.add.f32.msk $0xffff, v3  }
0x6a: {  	[tilespmem:s1+$0x110] =	vst.add.f32.msk $0xffff, v2  }
0x6b: {  	[tilespmem:s1+$0x100] =	vst.add.f32.msk $0xffff, v0  }
0x6c: {  	[tilespmem:s1+$0xF0] =	vst.add.f32.msk $0xffff, v1  }
0x6d: {  	[tilespmem:s1+$0xE0] =	vst.add.f32.msk $0xffff, v3  }
0x6e: {  	[tilespmem:s1+$0xD0] =	vst.add.f32.msk $0xffff, v2  }
0x6f: {  	[tilespmem:s1+$0xC0] =	vst.add.f32.msk $0xffff, v0  }
0x70: {  	[tilespmem:s1+$0xB0] =	vst.add.f32.msk $0xffff, v1  }
0x71: {  	[tilespmem:s1+$0xA0] =	vst.add.f32.msk $0xffff, v3  }
0x72: {  	[tilespmem:s1+$0x90] =	vst.add.f32.msk $0xffff, v2  }
0x73: {  	[tilespmem:s1+$0x80] =	vst.add.f32.msk $0xffff, v0  }
0x74: {  	[tilespmem:s1+$0x70] =	vst.add.f32.msk $0xffff, v1  }
.Ltmp0:
0x75: {  	[tilespmem:s1+$0x60] =	vst.add.f32.msk $0xffff, v3;
	(pc) =	sbr.rel @p0 .LBB2_3-.Ltmp0, $4  }
0x76: {  	[tilespmem:s1+$0x50] =	vst.add.f32.msk $0xffff, v2  }
0x77: {  	[tilespmem:s1+$0x40] =	vst.add.f32.msk $0xffff, v0  }
0x78: {  	[tilespmem:s1+$0x30] =	vst.add.f32.msk $0xffff, v1  }
0x79: {  	[tilespmem:s1+$0x20] =	vst.add.f32.msk $0xffff, v3  }
0x7a: {  	[tilespmem:s1+$0x10] =	vst.add.f32.msk $0xffff, v2  }
0x7b: {  	v1 =	vld [tilespmem:s31+$0x6840]  }
0x7c: {  	v2 =	vld [tilespmem:s31+$0x6870]  }
0x7d: {  	v3 =	vld [tilespmem:s31+$0x6860]  }
0x7e: {  	v0 =	vld [tilespmem:s31+$0x6850]  }
0x7f: {  	s31 =	simm.s32 $0xBA00  }
0x80: {  	[tilespmem:s31+$0x0] =	vst.add.f32.msk $0xffff, v1  }
0x81: {  	[tilespmem:s31+$0x1F0] =	vst.add.f32.msk $0xffff, v2  }
0x82: {  	[tilespmem:s31+$0x1E0] =	vst.add.f32.msk $0xffff, v3  }
0x83: {  	[tilespmem:s31+$0x1D0] =	vst.add.f32.msk $0xffff, v0  }
0x84: {  	[tilespmem:s31+$0x1C0] =	vst.add.f32.msk $0xffff, v1  }
0x85: {  	[tilespmem:s31+$0x1B0] =	vst.add.f32.msk $0xffff, v2  }
0x86: {  	[tilespmem:s31+$0x1A0] =	vst.add.f32.msk $0xffff, v3  }
0x87: {  	[tilespmem:s31+$0x190] =	vst.add.f32.msk $0xffff, v0  }
0x88: {  	[tilespmem:s31+$0x180] =	vst.add.f32.msk $0xffff, v1  }
0x89: {  	[tilespmem:s31+$0x170] =	vst.add.f32.msk $0xffff, v2  }
0x8a: {  	[tilespmem:s31+$0x160] =	vst.add.f32.msk $0xffff, v3  }
0x8b: {  	[tilespmem:s31+$0x150] =	vst.add.f32.msk $0xffff, v0  }
0x8c: {  	[tilespmem:s31+$0x140] =	vst.add.f32.msk $0xffff, v1  }
0x8d: {  	[tilespmem:s31+$0x130] =	vst.add.f32.msk $0xffff, v2  }
0x8e: {  	[tilespmem:s31+$0x120] =	vst.add.f32.msk $0xffff, v3  }
0x8f: {  	[tilespmem:s31+$0x110] =	vst.add.f32.msk $0xffff, v0  }
0x90: {  	[tilespmem:s31+$0x100] =	vst.add.f32.msk $0xffff, v1  }
0x91: {  	[tilespmem:s31+$0xF0] =	vst.add.f32.msk $0xffff, v2  }
0x92: {  	[tilespmem:s31+$0xE0] =	vst.add.f32.msk $0xffff, v3  }
0x93: {  	[tilespmem:s31+$0xD0] =	vst.add.f32.msk $0xffff, v0  }
0x94: {  	[tilespmem:s31+$0xC0] =	vst.add.f32.msk $0xffff, v1  }
0x95: {  	[tilespmem:s31+$0xB0] =	vst.add.f32.msk $0xffff, v2  }
0x96: {  	[tilespmem:s31+$0xA0] =	vst.add.f32.msk $0xffff, v3  }
0x97: {  	[tilespmem:s31+$0x90] =	vst.add.f32.msk $0xffff, v0  }
0x98: {  	[tilespmem:s31+$0x80] =	vst.add.f32.msk $0xffff, v1  }
0x99: {  	[tilespmem:s31+$0x70] =	vst.add.f32.msk $0xffff, v2  }
0x9a: {  	[tilespmem:s31+$0x60] =	vst.add.f32.msk $0xffff, v3  }
0x9b: {  	[tilespmem:s31+$0x50] =	vst.add.f32.msk $0xffff, v0  }
0x9c: {  	[tilespmem:s31+$0x40] =	vst.add.f32.msk $0xffff, v1  }
0x9d: {  	[tilespmem:s31+$0x30] =	vst.add.f32.msk $0xffff, v2  }
0x9e: {  	s0 =	simm.s32 $0x0;
	[tilespmem:s31+$0x20] =	vst.add.f32.msk $0xffff, v3  }
.LBB2_5:
0x9f: {  	s0 =	sadd.s32 $0x8, s0;
	[tilespmem:s31+$0x10] =	vst.add.f32.msk $0xffff, v0;
	s31 =	sadd.s32 $0x200, s31  }
0xa0: {  	[tilespmem:s31+$0x0] =	vst.add.f32.msk $0xffff, v1;
	p0 =	slt.u32 s0, $0xC0  }
0xa1: {  	[tilespmem:s31+$0x1F0] =	vst.add.f32.msk $0xffff, v2  }
0xa2: {  	[tilespmem:s31+$0x1E0] =	vst.add.f32.msk $0xffff, v3  }
0xa3: {  	[tilespmem:s31+$0x1D0] =	vst.add.f32.msk $0xffff, v0  }
0xa4: {  	[tilespmem:s31+$0x1C0] =	vst.add.f32.msk $0xffff, v1  }
0xa5: {  	[tilespmem:s31+$0x1B0] =	vst.add.f32.msk $0xffff, v2  }
0xa6: {  	[tilespmem:s31+$0x1A0] =	vst.add.f32.msk $0xffff, v3  }
0xa7: {  	[tilespmem:s31+$0x190] =	vst.add.f32.msk $0xffff, v0  }
0xa8: {  	[tilespmem:s31+$0x180] =	vst.add.f32.msk $0xffff, v1  }
0xa9: {  	[tilespmem:s31+$0x170] =	vst.add.f32.msk $0xffff, v2  }
0xaa: {  	[tilespmem:s31+$0x160] =	vst.add.f32.msk $0xffff, v3  }
0xab: {  	[tilespmem:s31+$0x150] =	vst.add.f32.msk $0xffff, v0  }
0xac: {  	[tilespmem:s31+$0x140] =	vst.add.f32.msk $0xffff, v1  }
0xad: {  	[tilespmem:s31+$0x130] =	vst.add.f32.msk $0xffff, v2  }
0xae: {  	[tilespmem:s31+$0x120] =	vst.add.f32.msk $0xffff, v3  }
0xaf: {  	[tilespmem:s31+$0x110] =	vst.add.f32.msk $0xffff, v0  }
0xb0: {  	[tilespmem:s31+$0x100] =	vst.add.f32.msk $0xffff, v1  }
0xb1: {  	[tilespmem:s31+$0xF0] =	vst.add.f32.msk $0xffff, v2  }
0xb2: {  	[tilespmem:s31+$0xE0] =	vst.add.f32.msk $0xffff, v3  }
0xb3: {  	[tilespmem:s31+$0xD0] =	vst.add.f32.msk $0xffff, v0  }
0xb4: {  	[tilespmem:s31+$0xC0] =	vst.add.f32.msk $0xffff, v1  }
0xb5: {  	[tilespmem:s31+$0xB0] =	vst.add.f32.msk $0xffff, v2  }
0xb6: {  	[tilespmem:s31+$0xA0] =	vst.add.f32.msk $0xffff, v3  }
0xb7: {  	[tilespmem:s31+$0x90] =	vst.add.f32.msk $0xffff, v0  }
0xb8: {  	[tilespmem:s31+$0x80] =	vst.add.f32.msk $0xffff, v1  }
0xb9: {  	[tilespmem:s31+$0x70] =	vst.add.f32.msk $0xffff, v2  }
.Ltmp1:
0xba: {  	[tilespmem:s31+$0x60] =	vst.add.f32.msk $0xffff, v3;
	(pc) =	sbr.rel @p0 .LBB2_5-.Ltmp1, $4  }
0xbb: {  	[tilespmem:s31+$0x50] =	vst.add.f32.msk $0xffff, v0  }
0xbc: {  	[tilespmem:s31+$0x40] =	vst.add.f32.msk $0xffff, v1  }
0xbd: {  	[tilespmem:s31+$0x30] =	vst.add.f32.msk $0xffff, v2  }
0xbe: {  	[tilespmem:s31+$0x20] =	vst.add.f32.msk $0xffff, v3  }
0xbf: {  	s0 =	smul.u32 $0x320, s29;
	_ =	sdelay $0x1  }
0xc0: {  	s0 =	sadd.s32 s5, s0  }
0xc1: {  	s0 =	sshll.u32 s0, $0x3  }
0xc2: {  	[tilespmem:s31+$0x10] =	vst.add.f32.msk $0xffff, v0;
	p0 =	seq.s32 s29, $0x1F;
	s0 =	sadd.s32 s2, s0  }
0xc3: {  	[hbm4b:s0+s3] =	stream.linear.scatter [tilespmem:s12], [sflag:$0x3], $0x6400, $0x38;
	[tilespmem:$0x15000] =	vst v63  }
0xc4: {  	s0 =	simm.s32 @!p0 $0x3  }
0xc5: {  	s1 =	smul.u32 @!p0 $0xD00, s29;
	_ =	swait.ge @!p0 [sflag:s0], $0x6400  }
0xc6: {  	[sflag:s0] =	ssyncset.done @!p0 $0x0  }
0xc7: {  	[sflag:s0] =	ssyncadd.s32 @!p0 $0xFFFF9C00;
	s0 =	sshra.s32 @!p0 s1, $0x2  }
0xc8: {  	s31 =	simm.s32 @!p0 $0x64;
	s10 =	simm.s32 @!p0 $0x8800;
	s1 =	sadd.s32 @!p0 $0x340, s0  }
0xc9: {  	[tilespmem:s10], [sflag:$0x1] =	stream.indirect.gather @!p0 [hbm4b:s4+s31], $0x40, s1, s31, $0xb8;
	[tilespmem:$0x15000] =	vst v63  }
0xca: {  	s1 =	sadd.s32 @!p0 $0x3A8, s0;
	s10 =	simm.s32 @!p0 $0xA100  }
0xcb: {  	[tilespmem:s10], [sflag:$0x1] =	stream.indirect.gather @!p0 [hbm4b:s4+s31], $0x40, s1, s31, $0xb8;
	[tilespmem:$0x15000] =	vst v63  }
0xcc: {  	s1 =	sadd.s32 @!p0 $0x410, s0;
	s10 =	simm.s32 @!p0 $0xBA00  }
0xcd: {  	[tilespmem:s10], [sflag:$0x1] =	stream.indirect.gather @!p0 [hbm4b:s4+s31], $0x40, s1, s31, $0xb8;
	[tilespmem:$0x15000] =	vst v63  }
0xce: {  	s0 =	sadd.s32 @!p0 $0x478, s0;
	s1 =	simm.s32 @!p0 $0xD300  }
0xcf: {  	[tilespmem:s1], [sflag:$0x1] =	stream.indirect.gather @!p0 [hbm4b:s4+s31], $0x40, s0, s31, $0xb8;
	[tilespmem:$0x15000] =	vst v63  }
0xd0: {  	_ =	swait.ge [sflag:s24], $0x1900  }
0xd1: {  	[sflag:s24] =	ssyncset.done $0x0  }
0xd2: {  	[sflag:s24] =	ssyncadd.s32 $0xFFFFE700  }
0xd3: {  	_ =	swait.ge [sflag:s24], $0x1900  }
0xd4: {  	[sflag:s24] =	ssyncset.done $0x0  }
0xd5: {  	[sflag:s24] =	ssyncadd.s32 $0xFFFFE700  }
0xd6: {  	_ =	swait.ge [sflag:s24], $0x1900  }
0xd7: {  	[sflag:s24] =	ssyncset.done $0x0  }
0xd8: {  	[sflag:s24] =	ssyncadd.s32 $0xFFFFE700  }
0xd9: {  	_ =	swait.ge [sflag:s24], $0x1900  }
0xda: {  	s10 =	sshll.u32 s30, $0x7;
	[sflag:s24] =	ssyncset.done $0x0  }
0xdb: {  	s31 =	sand.u32 $0x3FFFFF80, s10;
	[sflag:s24] =	ssyncadd.s32 $0xFFFFE700  }
0xdc: {  	v0 =	vld [tilespmem:s31+$0x6800]  }
0xdd: {  	v1 =	vld [tilespmem:s31+$0x6830]  }
0xde: {  	v3 =	vld [tilespmem:s31+$0x6820]  }
0xdf: {  	v2 =	vld [tilespmem:s31+$0x6810]  }
0xe0: {  	s1 =	simm.s32 $0xEC00  }
0xe1: {  	[tilespmem:s1+$0x0] =	vst.add.f32.msk $0xffff, v0  }
0xe2: {  	[tilespmem:s1+$0x1F0] =	vst.add.f32.msk $0xffff, v1  }
0xe3: {  	[tilespmem:s1+$0x1E0] =	vst.add.f32.msk $0xffff, v3  }
0xe4: {  	[tilespmem:s1+$0x1D0] =	vst.add.f32.msk $0xffff, v2  }
0xe5: {  	[tilespmem:s1+$0x1C0] =	vst.add.f32.msk $0xffff, v0  }
0xe6: {  	[tilespmem:s1+$0x1B0] =	vst.add.f32.msk $0xffff, v1  }
0xe7: {  	[tilespmem:s1+$0x1A0] =	vst.add.f32.msk $0xffff, v3  }
0xe8: {  	[tilespmem:s1+$0x190] =	vst.add.f32.msk $0xffff, v2  }
0xe9: {  	[tilespmem:s1+$0x180] =	vst.add.f32.msk $0xffff, v0  }
0xea: {  	[tilespmem:s1+$0x170] =	vst.add.f32.msk $0xffff, v1  }
0xeb: {  	[tilespmem:s1+$0x160] =	vst.add.f32.msk $0xffff, v3  }
0xec: {  	[tilespmem:s1+$0x150] =	vst.add.f32.msk $0xffff, v2  }
0xed: {  	[tilespmem:s1+$0x140] =	vst.add.f32.msk $0xffff, v0  }
0xee: {  	[tilespmem:s1+$0x130] =	vst.add.f32.msk $0xffff, v1  }
0xef: {  	[tilespmem:s1+$0x120] =	vst.add.f32.msk $0xffff, v3  }
0xf0: {  	[tilespmem:s1+$0x110] =	vst.add.f32.msk $0xffff, v2  }
0xf1: {  	[tilespmem:s1+$0x100] =	vst.add.f32.msk $0xffff, v0  }
0xf2: {  	[tilespmem:s1+$0xF0] =	vst.add.f32.msk $0xffff, v1  }
0xf3: {  	[tilespmem:s1+$0xE0] =	vst.add.f32.msk $0xffff, v3  }
0xf4: {  	[tilespmem:s1+$0xD0] =	vst.add.f32.msk $0xffff, v2  }
0xf5: {  	[tilespmem:s1+$0xC0] =	vst.add.f32.msk $0xffff, v0  }
0xf6: {  	[tilespmem:s1+$0xB0] =	vst.add.f32.msk $0xffff, v1  }
0xf7: {  	[tilespmem:s1+$0xA0] =	vst.add.f32.msk $0xffff, v3  }
0xf8: {  	[tilespmem:s1+$0x90] =	vst.add.f32.msk $0xffff, v2  }
0xf9: {  	[tilespmem:s1+$0x80] =	vst.add.f32.msk $0xffff, v0  }
0xfa: {  	[tilespmem:s1+$0x70] =	vst.add.f32.msk $0xffff, v1  }
0xfb: {  	[tilespmem:s1+$0x60] =	vst.add.f32.msk $0xffff, v3  }
0xfc: {  	[tilespmem:s1+$0x50] =	vst.add.f32.msk $0xffff, v2  }
0xfd: {  	[tilespmem:s1+$0x40] =	vst.add.f32.msk $0xffff, v0  }
0xfe: {  	[tilespmem:s1+$0x30] =	vst.add.f32.msk $0xffff, v1  }
0xff: {  	s0 =	simm.s32 $0x0;
	[tilespmem:s1+$0x20] =	vst.add.f32.msk $0xffff, v3  }
.LBB2_7:
0x100: {  	s0 =	sadd.s32 $0x8, s0;
	[tilespmem:s1+$0x10] =	vst.add.f32.msk $0xffff, v2;
	s1 =	sadd.s32 $0x200, s1  }
0x101: {  	[tilespmem:s1+$0x0] =	vst.add.f32.msk $0xffff, v0;
	p0 =	slt.u32 s0, $0xC0  }
0x102: {  	[tilespmem:s1+$0x1F0] =	vst.add.f32.msk $0xffff, v1  }
0x103: {  	[tilespmem:s1+$0x1E0] =	vst.add.f32.msk $0xffff, v3  }
0x104: {  	[tilespmem:s1+$0x1D0] =	vst.add.f32.msk $0xffff, v2  }
0x105: {  	[tilespmem:s1+$0x1C0] =	vst.add.f32.msk $0xffff, v0  }
0x106: {  	[tilespmem:s1+$0x1B0] =	vst.add.f32.msk $0xffff, v1  }
0x107: {  	[tilespmem:s1+$0x1A0] =	vst.add.f32.msk $0xffff, v3  }
0x108: {  	[tilespmem:s1+$0x190] =	vst.add.f32.msk $0xffff, v2  }
0x109: {  	[tilespmem:s1+$0x180] =	vst.add.f32.msk $0xffff, v0  }
0x10a: {  	[tilespmem:s1+$0x170] =	vst.add.f32.msk $0xffff, v1  }
0x10b: {  	[tilespmem:s1+$0x160] =	vst.add.f32.msk $0xffff, v3  }
0x10c: {  	[tilespmem:s1+$0x150] =	vst.add.f32.msk $0xffff, v2  }
0x10d: {  	[tilespmem:s1+$0x140] =	vst.add.f32.msk $0xffff, v0  }
0x10e: {  	[tilespmem:s1+$0x130] =	vst.add.f32.msk $0xffff, v1  }
0x10f: {  	[tilespmem:s1+$0x120] =	vst.add.f32.msk $0xffff, v3  }
0x110: {  	[tilespmem:s1+$0x110] =	vst.add.f32.msk $0xffff, v2  }
0x111: {  	[tilespmem:s1+$0x100] =	vst.add.f32.msk $0xffff, v0  }
0x112: {  	[tilespmem:s1+$0xF0] =	vst.add.f32.msk $0xffff, v1  }
0x113: {  	[tilespmem:s1+$0xE0] =	vst.add.f32.msk $0xffff, v3  }
0x114: {  	[tilespmem:s1+$0xD0] =	vst.add.f32.msk $0xffff, v2  }
0x115: {  	[tilespmem:s1+$0xC0] =	vst.add.f32.msk $0xffff, v0  }
0x116: {  	[tilespmem:s1+$0xB0] =	vst.add.f32.msk $0xffff, v1  }
0x117: {  	[tilespmem:s1+$0xA0] =	vst.add.f32.msk $0xffff, v3  }
0x118: {  	[tilespmem:s1+$0x90] =	vst.add.f32.msk $0xffff, v2  }
0x119: {  	[tilespmem:s1+$0x80] =	vst.add.f32.msk $0xffff, v0  }
0x11a: {  	[tilespmem:s1+$0x70] =	vst.add.f32.msk $0xffff, v1  }
.Ltmp2:
0x11b: {  	[tilespmem:s1+$0x60] =	vst.add.f32.msk $0xffff, v3;
	(pc) =	sbr.rel @p0 .LBB2_7-.Ltmp2, $4  }
0x11c: {  	[tilespmem:s1+$0x50] =	vst.add.f32.msk $0xffff, v2  }
0x11d: {  	[tilespmem:s1+$0x40] =	vst.add.f32.msk $0xffff, v0  }
0x11e: {  	[tilespmem:s1+$0x30] =	vst.add.f32.msk $0xffff, v1  }
0x11f: {  	[tilespmem:s1+$0x20] =	vst.add.f32.msk $0xffff, v3  }
0x120: {  	[tilespmem:s1+$0x10] =	vst.add.f32.msk $0xffff, v2  }
0x121: {  	v1 =	vld [tilespmem:s31+$0x6840]  }
0x122: {  	v2 =	vld [tilespmem:s31+$0x6870]  }
0x123: {  	v3 =	vld [tilespmem:s31+$0x6860]  }
0x124: {  	v0 =	vld [tilespmem:s31+$0x6850]  }
0x125: {  	s31 =	simm.s32 $0x11E00  }
0x126: {  	[tilespmem:s31+$0x0] =	vst.add.f32.msk $0xffff, v1  }
0x127: {  	[tilespmem:s31+$0x1F0] =	vst.add.f32.msk $0xffff, v2  }
0x128: {  	[tilespmem:s31+$0x1E0] =	vst.add.f32.msk $0xffff, v3  }
0x129: {  	[tilespmem:s31+$0x1D0] =	vst.add.f32.msk $0xffff, v0  }
0x12a: {  	[tilespmem:s31+$0x1C0] =	vst.add.f32.msk $0xffff, v1  }
0x12b: {  	[tilespmem:s31+$0x1B0] =	vst.add.f32.msk $0xffff, v2  }
0x12c: {  	[tilespmem:s31+$0x1A0] =	vst.add.f32.msk $0xffff, v3  }
0x12d: {  	[tilespmem:s31+$0x190] =	vst.add.f32.msk $0xffff, v0  }
0x12e: {  	[tilespmem:s31+$0x180] =	vst.add.f32.msk $0xffff, v1  }
0x12f: {  	[tilespmem:s31+$0x170] =	vst.add.f32.msk $0xffff, v2  }
0x130: {  	[tilespmem:s31+$0x160] =	vst.add.f32.msk $0xffff, v3  }
0x131: {  	[tilespmem:s31+$0x150] =	vst.add.f32.msk $0xffff, v0  }
0x132: {  	[tilespmem:s31+$0x140] =	vst.add.f32.msk $0xffff, v1  }
0x133: {  	[tilespmem:s31+$0x130] =	vst.add.f32.msk $0xffff, v2  }
0x134: {  	[tilespmem:s31+$0x120] =	vst.add.f32.msk $0xffff, v3  }
0x135: {  	[tilespmem:s31+$0x110] =	vst.add.f32.msk $0xffff, v0  }
0x136: {  	[tilespmem:s31+$0x100] =	vst.add.f32.msk $0xffff, v1  }
0x137: {  	[tilespmem:s31+$0xF0] =	vst.add.f32.msk $0xffff, v2  }
0x138: {  	[tilespmem:s31+$0xE0] =	vst.add.f32.msk $0xffff, v3  }
0x139: {  	[tilespmem:s31+$0xD0] =	vst.add.f32.msk $0xffff, v0  }
0x13a: {  	[tilespmem:s31+$0xC0] =	vst.add.f32.msk $0xffff, v1  }
0x13b: {  	[tilespmem:s31+$0xB0] =	vst.add.f32.msk $0xffff, v2  }
0x13c: {  	[tilespmem:s31+$0xA0] =	vst.add.f32.msk $0xffff, v3  }
0x13d: {  	[tilespmem:s31+$0x90] =	vst.add.f32.msk $0xffff, v0  }
0x13e: {  	[tilespmem:s31+$0x80] =	vst.add.f32.msk $0xffff, v1  }
0x13f: {  	[tilespmem:s31+$0x70] =	vst.add.f32.msk $0xffff, v2  }
0x140: {  	[tilespmem:s31+$0x60] =	vst.add.f32.msk $0xffff, v3  }
0x141: {  	[tilespmem:s31+$0x50] =	vst.add.f32.msk $0xffff, v0  }
0x142: {  	[tilespmem:s31+$0x40] =	vst.add.f32.msk $0xffff, v1  }
0x143: {  	[tilespmem:s31+$0x30] =	vst.add.f32.msk $0xffff, v2  }
0x144: {  	s0 =	simm.s32 $0x0;
	[tilespmem:s31+$0x20] =	vst.add.f32.msk $0xffff, v3  }
.LBB2_9:
0x145: {  	s0 =	sadd.s32 $0x8, s0;
	[tilespmem:s31+$0x10] =	vst.add.f32.msk $0xffff, v0;
	s31 =	sadd.s32 $0x200, s31  }
0x146: {  	[tilespmem:s31+$0x0] =	vst.add.f32.msk $0xffff, v1;
	p0 =	slt.u32 s0, $0xC0  }
0x147: {  	[tilespmem:s31+$0x1F0] =	vst.add.f32.msk $0xffff, v2  }
0x148: {  	[tilespmem:s31+$0x1E0] =	vst.add.f32.msk $0xffff, v3  }
0x149: {  	[tilespmem:s31+$0x1D0] =	vst.add.f32.msk $0xffff, v0  }
0x14a: {  	[tilespmem:s31+$0x1C0] =	vst.add.f32.msk $0xffff, v1  }
0x14b: {  	[tilespmem:s31+$0x1B0] =	vst.add.f32.msk $0xffff, v2  }
0x14c: {  	[tilespmem:s31+$0x1A0] =	vst.add.f32.msk $0xffff, v3  }
0x14d: {  	[tilespmem:s31+$0x190] =	vst.add.f32.msk $0xffff, v0  }
0x14e: {  	[tilespmem:s31+$0x180] =	vst.add.f32.msk $0xffff, v1  }
0x14f: {  	[tilespmem:s31+$0x170] =	vst.add.f32.msk $0xffff, v2  }
0x150: {  	[tilespmem:s31+$0x160] =	vst.add.f32.msk $0xffff, v3  }
0x151: {  	[tilespmem:s31+$0x150] =	vst.add.f32.msk $0xffff, v0  }
0x152: {  	[tilespmem:s31+$0x140] =	vst.add.f32.msk $0xffff, v1  }
0x153: {  	[tilespmem:s31+$0x130] =	vst.add.f32.msk $0xffff, v2  }
0x154: {  	[tilespmem:s31+$0x120] =	vst.add.f32.msk $0xffff, v3  }
0x155: {  	[tilespmem:s31+$0x110] =	vst.add.f32.msk $0xffff, v0  }
0x156: {  	[tilespmem:s31+$0x100] =	vst.add.f32.msk $0xffff, v1  }
0x157: {  	[tilespmem:s31+$0xF0] =	vst.add.f32.msk $0xffff, v2  }
0x158: {  	[tilespmem:s31+$0xE0] =	vst.add.f32.msk $0xffff, v3  }
0x159: {  	[tilespmem:s31+$0xD0] =	vst.add.f32.msk $0xffff, v0  }
0x15a: {  	[tilespmem:s31+$0xC0] =	vst.add.f32.msk $0xffff, v1  }
0x15b: {  	[tilespmem:s31+$0xB0] =	vst.add.f32.msk $0xffff, v2  }
0x15c: {  	[tilespmem:s31+$0xA0] =	vst.add.f32.msk $0xffff, v3  }
0x15d: {  	[tilespmem:s31+$0x90] =	vst.add.f32.msk $0xffff, v0  }
0x15e: {  	[tilespmem:s31+$0x80] =	vst.add.f32.msk $0xffff, v1  }
0x15f: {  	[tilespmem:s31+$0x70] =	vst.add.f32.msk $0xffff, v2  }
.Ltmp3:
0x160: {  	[tilespmem:s31+$0x60] =	vst.add.f32.msk $0xffff, v3;
	(pc) =	sbr.rel @p0 .LBB2_9-.Ltmp3, $4  }
0x161: {  	[tilespmem:s31+$0x50] =	vst.add.f32.msk $0xffff, v0  }
0x162: {  	[tilespmem:s31+$0x40] =	vst.add.f32.msk $0xffff, v1  }
0x163: {  	[tilespmem:s31+$0x30] =	vst.add.f32.msk $0xffff, v2  }
0x164: {  	[tilespmem:s31+$0x20] =	vst.add.f32.msk $0xffff, v3  }
0x165: {  	s0 =	smul.u32 $0x190, s30;
	s29 =	sadd.s32 $0x1, s29  }
0x166: {  	p0 =	sne.s32 s29, $0x20  }
.Ltmp4:
0x167: {  	s0 =	sadd.s32 s5, s0;
	(pc) =	sbr.rel @p0 .LBB2_2-.Ltmp4, $4  }
0x168: {  	s0 =	sshll.u32 s0, $0x3  }
0x169: {  	s0 =	sand.u32 $0x1FFFFF80, s0  }
0x16a: {  	[tilespmem:s31+$0x10] =	vst.add.f32.msk $0xffff, v0;
	s0 =	sadd.s32 s2, s0  }
0x16b: {  	[hbm4b:s0+s3] =	stream.linear.scatter [tilespmem:s19], [sflag:$0x4], $0x6400, $0x38;
	[tilespmem:$0x15000] =	vst v63  }
0x16c: {  	s28 =	sadd.s32 $0x1, s28  }
0x16d: {  	_ =	swait.ge [sflag:s25], $0x6400;
	p0 =	sne.s32 s28, s8  }
.Ltmp5:
0x16e: {  	[sflag:s25] =	ssyncset.done $0x0;
	(pc) =	sbr.rel @p0 .LBB2_1-.Ltmp5, $4  }
0x16f: {  	[sflag:s25] =	ssyncadd.s32 $0xFFFF9C00  }
0x170: {  	_ =	swait.ge [sflag:s26], $0x6400  }
0x171: {  	[sflag:s26] =	ssyncset.done $0x0  }
0x172: {  	[sflag:s26] =	ssyncadd.s32 $0xFFFF9C00  }
0x173: {  	_ =	sfence.sel $0x180000  }
0x174: {  	[bflag:$0x0] =	sbarrier.arrive $0xFFFF  }
0x175: {  	_ =	strace $0x90000047  }
0x176: {  	s0 =	stileid.u32;
	[bflag:$0x2] =	sbarrier.arrive $0xFFFF  }
0x177: {  	p0 =	sne.s32 s0, $0x0;
	s0 =	rddreg [dreg:$0x2]  }
0x178: {  	s0 =	sadd.s32 @!p0 $0x100000, s0  }
0x179: {  	[sflag:s0] =	ssyncadd.tile.s32 @!p0 $0x1;
	_ =	shalt  }
.Lfunc_end2:
_tile_overlayer_lowered:
.L_overlay_start_2:
0x17a: {  	(tag) =	ssettag $0x2  }
0x17b: {  	s0 =	rddreg [dreg:$0x0];
	s2 =	stileid.u32  }
0x17c: {  	s1 =	rddreg [dreg:$0x1];
	p0 =	sne.s32 s2, $0x0  }
0x17d: {  	s3 =	rddreg [dreg:$0x2];
	[bflag:$0x3] =	sbarrier.arrive $0xFFFF;
	s2 =	simm.s32 @!p0 $0x1C05  }
0x17e: {  	[timem:s3], [sflag:s2] =	dma.local @!p0 [hbm:s0], s1  }
0x17f: {  	s0 =	simm.s32 @!p0 $0x5  }
0x180: {  	_ =	swait.ge @!p0 [sflag:s0], s1  }
0x181: {  	s1 =	ssub.s32 @!p0 $0x0, s1;
	[sflag:s0] =	ssyncset.done @!p0 $0x0  }
0x182: {  	[sflag:s0] =	ssyncadd.s32 @!p0 s1  }
0x183: {  	[bflag:$0x3] =	sbarrier.arrive $0xFFFF  }
0x184: {  	_ =	shalt  }

// kernel: sparse-core-data-format-call.cloned.1.call-start
scs
called_computation_lowered:
.L_overlay_start_0:
0x0: {  	s2 =	sld [smem:$0x3FD9]  }
0x1: {  	s3 =	sld [smem:$0x3FFE];
	_ =	sdelay $0x1  }
0x2: {  	s1 =	srdreg.scid  }
0x3: {  	s0 =	sand.u32 $0x1, s1  }
0x4: {  	s18 =	sshll.u32 s0, $0xA;
	s2 =	sadd.s32 s3, s2  }
0x5: {  	s2 =	sadd.s32 s2, s18  }
0x6: {  	[smem:$0x3FC3] =	sst s2  }
0x7: {  	_ = 	snop  }
0x8: {  	s2 =	sld [smem:$0x3FD0];
	(tm) =	ssettm $0x1  }
0x9: {  	s19 =	sld [smem:$0x3FFB];
	_ =	sdelay $0x3  }
0xa: {  	_ =	strace s19  }
0xb: {  	s3 =	sld [smem:$0x3FFC];
	_ =	sdelay $0x3  }
0xc: {  	_ =	strace s3  }
0xd: {  	s3 =	sld [smem:$0x3FFD];
	_ =	sdelay $0x3  }
0xe: {  	_ =	strace s3  }
0xf: {  	_ =	strace $0x8FFFFFFF  }
0x10: {  	s20 =	sld [smem:$0x3FDB];
	_ =	sdelay $0x1  }
0x11: {  	s4 =	simm.s32 $_scs_section_size  }
0x12: {  	s5 =	simm.s32 $_size__tile_overlayer_lowered;
	s6 =	simm.s32 $_tile_overlayer_lowered  }
0x13: {  	s23 =	simm.s32 $0x1BFF;
	s22 =	sshll.u32 s6, $0x1;
	s3 =	sadd.s32 s4, s20  }
0x14: {  	s7 =	simm.s32 $0x0;
	s21 =	sshll.u32 s5, $0x1;
	s5 =	sadd.s32 s22, s3  }
0x15: {  	[timem:s7], [sflag:s23] =	dma.local [hbm:s5], s21  }
0x16: {  	_ =	swait.ge [sflag:s23], s21  }
0x17: {  	s4 =	ssub.s32 $0x0, s21;
	[sflag:s23] =	ssyncset.done $0x0  }
0x18: {  	[sflag:s23] =	ssyncadd.s32 s4;
	_ =	sdelay $0x1  }
0x19: {  	s24 =	simm.s32 $0x1B8B  }
0x1a: {  	_ =	swait.ge [sflag:s24], $0x1  }
0x1b: {  	[sflag:s24] =	ssyncset.done $0x0  }
0x1c: {  	s26 =	simm.s32 $0x1B8E;
	s25 =	sld [smem:$0x3FFE];
	[sflag:s24] =	ssyncadd.s32 $0xFFFFFFFF  }
0x1d: {  	s27 =	simm.s32 $execute0_lowered;
	[smem:$0x3FD2] =	sst s26  }
0x1e: {  	s5 =	sshll.u32 s27, $0x1;
	_ =	strace $0x80000049;
	[dreg:$0x1] =	wrdreg $0xFFFFFFFF  }
0x1f: {  	s28 =	simm.s32 $_size_execute0_lowered;
	s3 =	sadd.s32 s3, s5;
	[dreg:$0x0] =	wrdreg $0x0  }
0x20: {  	s5 =	sshll.u32 s28, $0x1;
	[dreg:$0x2] =	wrdreg s3  }
0x21: {  	[dreg:$0x3] =	wrdreg s5  }
0x22: {  	[dreg:$0x4] =	wrdreg $0xC0  }
0x23: {  	_ =	task [dreg:s7], $0x5FFFF  }
0x24: {  	[dreg:$0x1] =	wrdreg $0xFFFFFFFF  }
0x25: {  	[dreg:$0x0] =	wrdreg $0x60  }
0x26: {  	[dreg:$0x2] =	wrdreg s25  }
0x27: {  	[dreg:$0x3] =	wrdreg s2  }
0x28: {  	[dreg:$0x4] =	wrdreg $0x9  }
0x29: {  	_ =	task.clear_ibuf [dreg:s7], $0x5FFFF;
	_ =	strace $0x90000049  }
0x2a: {  	s29 =	simm.s32 $0x9;
	_ =	strace $0x8000004B  }
0x2b: {  	_ =	swait.ge [sflag:s29], $0x1  }
0x2c: {  	[sflag:s29] =	ssyncadd.s32 $0xFFFFFFFF  }
0x2d: {  	_ =	strace $0x9000004B  }
0x2e: {  	_ =	sfence  }
0x2f: {  	s30 =	sld [smem:$0x0];
	_ =	sdelay $0x2  }
0x30: {  	s31 =	sshll.u32 s1, $0xD;
	s1 =	sshrl.u32 s1, $0x2  }
0x31: {  	s3 =	sand.u32 $0x4000, s31;
	s1 =	sadd.s32 s1, s30  }
0x32: {  	s0 =	sor.u32 s3, s0;
	s1 =	sshll.u32 s1, $0x11  }
0x33: {  	s0 =	sor.u32 s1, s0  }
0x34: {  	s0 =	sadd.s32 $0x8F2B, s0  }
0x35: {  	[sflag:s0] =	ssyncadd.remote.s32 $0x1  }
0x36: {  	_ =	sfence.sel $0xFFFF  }
0x37: {  	[dreg:$0x0] =	wrdreg $0xFFFFFFFF;
	(pc) =	sbr.abs _section_cstart, $3  }
0x38: {  	[dreg:$0x1] =	wrdreg $0xFFFFFFFF  }
0x39: {  	_ =	task.clear_ibuf [dreg:s7], $0x2FFFF;
	_ =	strace $0x9FFFFFFF  }
0x3a: {  	(tm) =	ssettm $0x7FFFFFFF  }
0x3b: {  	_ =	shalt  }
tec
execute0_lowered:
.L_overlay_start_1:
0x0: {  	(tag) =	ssettag $0x1  }
0x1: {  	s0 =	srdreg.scid  }
0x2: {  	s1 =	sshll.u32 s0, $0x4  }
0x3: {  	s0 =	stileid.u32;
	s1 =	sand.u32 $0x10, s1  }
0x4: {  	s1 =	sor.u32 s0, s1  }
0x5: {  	s6 =	rddreg [dreg:$0x0];
	s4 =	simm.s32 $0x1;
	s2 =	sshll.u32 s1, $0x7  }
0x6: {  	s7 =	simm.s32 $0x2;
	s12 =	simm.s32 $0x0;
	s1 =	ssub.s32 $0x1000, s2  }
0x7: {  	s8 =	simm.s32 $0x8000;
	s13 =	simm.s32 $0x0;
	s3 =	sand.u32 $0xF80, s1  }
0x8: {  	s9 =	simm.s32 $0x0;
	s5 =	sshrl.u32 s1, $0xC;
	p0 =	sne.s32 s3, $0x0  }
.Ltmp0:
0x9: {  	s1 =	rddreg [dreg:$0x2];
	s4 =	simm.s32 @!p0 $0x0;
	(pc) =	sbr.rel .LBB1_1-.Ltmp0, $4  }
0xa: {  	s11 =	simm.s32 $0x0;
	s3 =	rddreg [dreg:$0x1];
	s5 =	sadd.s32 s4, s5  }
0xb: {  	_ =	strace $0x8000004A;
	s4 =	simm.s32 $0x1;
	s5 =	smul.u32 $0xC8, s5  }
0xc: {  	s6 =	sadd.s32 $0x1000, s6;
	s10 =	smov.u32 s2;
	[sflag:s4] =	ssyncpa.u1 $0x0  }
0xd: {  	p0 =	por $0x0, $0x0;
	[sflag:s7] =	ssyncpa.u1 $0x0;
	s7 =	sor.u32 $0x1, s5  }
.LBB1_4:
0xe: {  	s16 =	sshll.u32 s13, $0x3;
	s17 =	sand.u32 $0x78, s13  }
0xf: {  	s30 =	sand.u32 $0x7E00, s13;
	s12 =	sshll.u32 s12, $0xF;
	s16 =	sand.u32 $0xC00, s16  }
0x10: {  	[tilespmem:s15+$0x810 ss:$0x81] =	vst.msk $0xffff, v2;
	s31 =	sand.u32 $0x7, s13;
	s16 =	sor.u32 s17, s16;
	s17 =	sadd.s32 s3, s30  }
0x11: {  	[tilespmem:s15+$0x1020 ss:$0x81] =	vst.msk $0xffff, v0;
	s13 =	sshll.u32 s31, $0x12;
	s12 =	sadd.s32 s12, s17;
	s16 =	sshrl.u32 s16, $0x3  }
0x12: {  	[tilespmem:s15+$0x0 ss:$0x81] =	vst.msk $0xffff, v1;
	s13 =	sor.u32 $0x400, s13;
	s12 =	sadd.s32 s16, s12  }
0x13: {  	[hbm4b:s12+s13] =	stream.strided.scatter [tilespmem:s14], [sflag:$0x2], $0x2000, s8, s13, $0x20;
	[tilespmem:$0x8080] =	vst v63  }
.LBB1_5:
0x14: {  	s14 =	sadd.s32 $0x1, s9  }
0x15: {  	s12 =	sadd.s32 $0x1000, s10;
	s16 =	smov.u32 s10;
	p2 =	sgt.s32 s14, $0xC7  }
0x16: {  	s16 =	smov.u32 @p2 s12  }
0x17: {  	s14 =	simm.s32 @p2 $0x0;
	p2 =	sgt.s32 s16, $0xFFF  }
0x18: {  	s16 =	smov.u32 @p2 s2;
	p2 =	sne.s32 s11, s7  }
.Ltmp1:
0x19: {  	p1 =	slt.u32 s11, $0x2;
	(pc) =	sbr.rel @!p2 .LBB1_6-.Ltmp1, $4  }
0x1a: {  	s15 =	simm.s32 @!p1 $0x2  }
0x1b: {  	s13 =	smov.u32 s10;
	p0 =	por !p0, !p0;
	_ =	swait.ge @!p1 [sflag:s15], $0x2000  }
0x1c: {  	s12 =	smov.u32 s9;
	[sflag:s15] =	ssyncset.done @!p1 $0x0;
	s9 =	smov.u32 s14  }
0x1d: {  	s11 =	sadd.s32 $0x1, s11;
	[sflag:s15] =	ssyncadd.s32 @!p1 $0xFFFFE000;
	s10 =	smov.u32 s16  }
.LBB1_1:
0x1e: {  	p1 =	sge.u32 s11, s5  }
0x1f: {  	s14 =	sand.u32 @!p1 $0x1FFFFFF, s9  }
0x20: {  	s15 =	smulhi.u32 @!p1 $0x147AE15, s14;
	_ =	sdelay $0x1  }
0x21: {  	s15 =	smul.u32 @!p1 $0xC8, s15  }
0x22: {  	s16 =	sxor.u32 @!p1 $0xFFFFFFFF, s11;
	s17 =	smul.u32 @!p1 $0xC80, s10  }
0x23: {  	s31 =	sadd.s32 $0xFFFFFFFF, s11;
	s16 =	sshll.u32 @!p1 s16, $0xD;
	s14 =	ssub.s32 @!p1 s14, s15  }
0x24: {  	s15 =	sand.u32 @!p1 $0x2000, s16;
	s16 =	sadd.s32 @!p1 s6, s17;
	s14 =	sshll.u32 @!p1 s14, $0x4  }
0x25: {  	s17 =	simm.s32 @!p1 $0x6400;
	s14 =	sadd.s32 @!p1 s14, s16;
	s16 =	simm.s32 @!p1 $0x40  }
0x26: {  	[tilespmem:s15], [sflag:$0x1] =	stream.strided.gather @!p1 [hbm4b:s14+s16], $0x2000, s17, s16, $0x38;
	[tilespmem:$0x8080] =	vst v63  }
0x27: {  	p1 =	sge.u32 s31, s5  }
.Ltmp2:
0x28: {  	_ = 	snop;
	(pc) =	sbr.rel @p1 .LBB1_5-.Ltmp2, $1  }
0x29: {  	_ =	sdelay $0x3  }
0x2a: {  	s14 =	simm.s32 $0x1  }
0x2b: {  	_ =	swait.ge [sflag:s4], $0x2000;
	s14 =	simm.s32 @!p0 $0x0  }
0x2c: {  	[sflag:s4] =	ssyncset.done $0x0;
	s15 =	sshll.u32 s14, $0xD  }
0x2d: {  	[sflag:s4] =	ssyncadd.s32 $0xFFFFE000;
	s18 =	sor.u32 $0x20, s15  }
0x2e: {  	s14 =	smul.u32 $0x8100, s14;
	v3 =	vld [tilespmem:s18+$0x10]  }
0x2f: {  	s30 =	sand.u32 $0x1, s11;
	v2 =	vld [tilespmem:s18+$0xFFFFFFF0]  }
0x30: {  	s15 =	smul.u32 $0x8100, s30;
	s14 =	sshrl.u32 s14, $0x2;
	v0 =	vld [tilespmem:s18+$0x0]  }
0x31: {  	v1 =	vld [tilespmem:s18+$0xFFFFFFE0];
	s16 =	sor.u32 $0x4000, s14  }
0x32: {  	s31 =	sshrl.u32 s15, $0x2;
	s15 =	sadd.s32 $0x0, s16  }
0x33: {  	s17 =	simm.s32 $0x4;
	s18 =	sadd.s32 $0x40, s18;
	s14 =	sor.u32 $0x4000, s31;
	[tilespmem:s15+$0x1830 ss:$0x81] =	vst.msk $0xffff, v3  }
.LBB1_3:
0x34: {  	v3 =	vld [tilespmem:s18+$0x10];
	p1 =	sne.s32 s17, $0x1FC;
	[tilespmem:s15+$0x810 ss:$0x81] =	vst.msk $0xffff, v2;
	s19 =	smov.u32 s17;
	s17 =	sadd.s32 $0x4, s17  }
.Ltmp3:
0x35: {  	v2 =	vld [tilespmem:s18+$0xFFFFFFF0];
	[tilespmem:s15+$0x1020 ss:$0x81] =	vst.msk $0xffff, v0;
	(pc) =	sbr.rel @p1 .LBB1_3-.Ltmp3, $4  }
0x36: {  	v0 =	vld [tilespmem:s18+$0x0];
	[tilespmem:s15+$0x0 ss:$0x81] =	vst.msk $0xffff, v1  }
0x37: {  	s15 =	sshra.s32 s19, $0x2;
	v1 =	vld [tilespmem:s18+$0xFFFFFFE0]  }
0x38: {  	s15 =	sadd.s32 s15, s16  }
0x39: {  	s18 =	sadd.s32 $0x40, s18;
	[tilespmem:s15+$0x1830 ss:$0x81] =	vst.msk $0xffff, v3  }
.Ltmp4:
0x3a: {  	_ = 	snop;
	(pc) =	sbr.rel .LBB1_4-.Ltmp4, $1  }
0x3b: {  	_ =	sdelay $0x3  }
.LBB1_6:
0x3c: {  	_ =	sfence.sel $0x180000  }
0x3d: {  	s2 =	simm.s32 $0x1;
	[bflag:$0x0] =	sbarrier.arrive $0xFFFF  }
0x3e: {  	s31 =	simm.s32 $0x2;
	[sflag:s2] =	ssyncpa.u1 $0x1  }
0x3f: {  	[sflag:s31] =	ssyncpa.u1 $0x1  }
0x40: {  	p0 =	sne.s32 s0, $0x0;
	_ =	strace $0x9000004A  }
0x41: {  	s0 =	sadd.s32 @!p0 $0x100000, s1;
	[bflag:$0x2] =	sbarrier.arrive $0xFFFF  }
0x42: {  	[sflag:s0] =	ssyncadd.tile.s32 @!p0 $0x1;
	_ =	shalt  }
.Lfunc_end1:
_tile_overlayer_lowered:
.L_overlay_start_2:
0x43: {  	(tag) =	ssettag $0x2  }
0x44: {  	s0 =	rddreg [dreg:$0x0];
	s2 =	stileid.u32  }
0x45: {  	s1 =	rddreg [dreg:$0x1];
	p0 =	sne.s32 s2, $0x0  }
0x46: {  	s3 =	rddreg [dreg:$0x2];
	[bflag:$0x3] =	sbarrier.arrive $0xFFFF;
	s2 =	simm.s32 @!p0 $0x1C01  }
0x47: {  	[timem:s3], [sflag:s2] =	dma.local @!p0 [hbm:s0], s1  }
0x48: {  	s0 =	simm.s32 @!p0 $0x1  }
0x49: {  	_ =	swait.ge @!p0 [sflag:s0], s1  }
0x4a: {  	s1 =	ssub.s32 @!p0 $0x0, s1;
	[sflag:s0] =	ssyncset.done @!p0 $0x0  }
0x4b: {  	[sflag:s0] =	ssyncadd.s32 @!p0 s1  }
0x4c: {  	[bflag:$0x3] =	sbarrier.arrive $0xFFFF  }
0x4d: {  	_ =	shalt  }

</sc_bundles>
